<compile_context>
chip_gen: v7x
topology: tpu7x:2x2x1
jax: 0.10.2.dev20260603
libtpu: 0.0.44.dev20260713+nightly
codegen_flags: <defaults>
</compile_context>

<pallas_src>
import functools

import jax
import jax.numpy as jnp
from jax import lax
from jax.experimental import pallas as pl
from jax.experimental.pallas import tpu as pltpu
from jax.experimental.pallas import tpu_sc as plsc

N = 10000
E = 2048
D = 128
DE = 16
DG = 8

NC = 2
NS = 16
NW = NC * NS
EPT = E // NW
NPAD = 10240
ROWS_PT = NPAD // NS

_sc_mesh = plsc.VectorSubcoreMesh(core_axis_name="c", subcore_axis_name="s")


@functools.partial(
    pl.kernel,
    out_type=(jax.ShapeDtypeStruct((E, D), jnp.float32),
              jax.ShapeDtypeStruct((E, D), jnp.float32)),
    mesh=_sc_mesh,
    scratch_types=[
        pltpu.VMEM((EPT,), jnp.int32),
        pltpu.VMEM((EPT,), jnp.int32),
        pltpu.VMEM((EPT, D), jnp.float32),
        pltpu.VMEM((EPT, D), jnp.float32),
        pltpu.SemaphoreType.DMA,
        pltpu.SemaphoreType.DMA,
    ],
)
def _sc_gather(nodes_hbm, send_hbm, recv_hbm, out_s, out_r,
               idx_s, idx_r, rows_s, rows_r, sem_s, sem_r):
    wid = lax.axis_index("c") * NS + lax.axis_index("s")
    base = wid * EPT
    pltpu.sync_copy(send_hbm.at[pl.ds(base, EPT)], idx_s)
    pltpu.sync_copy(recv_hbm.at[pl.ds(base, EPT)], idx_r)
    cp_s = pltpu.async_copy(nodes_hbm.at[idx_s], rows_s, sem_s)
    cp_r = pltpu.async_copy(nodes_hbm.at[idx_r], rows_r, sem_r)
    cp_s.wait()
    cp_r.wait()
    pltpu.sync_copy(rows_s, out_s.at[pl.ds(base, EPT)])
    pltpu.sync_copy(rows_r, out_r.at[pl.ds(base, EPT)])


HALF = NPAD // 2
ACC_ROWS = 5248
ZPT = ACC_ROWS // NS
OPT = HALF // NS
EPTC = E // NS


@functools.partial(
    pl.kernel,
    out_type=jax.ShapeDtypeStruct((NPAD, D), jnp.float32),
    mesh=_sc_mesh,
    scratch_types=[
        pltpu.VMEM((EPTC,), jnp.int32),
        pltpu.VMEM((EPTC,), jnp.int32),
        pltpu.VMEM((EPTC, D), jnp.float32),
        pltpu.VMEM((EPTC, D), jnp.float32),
        pltpu.VMEM_SHARED((ACC_ROWS, D), jnp.float32),
    ],
)
def _sc_scatter(zeros_hbm, ps_hbm, pr_hbm, send_hbm, recv_hbm, out_hbm,
                idx_s, idx_r, rows_s, rows_r, acc):
    c = lax.axis_index("c")
    s = lax.axis_index("s")
    ebase = s * EPTC
    lo = c * HALF
    pltpu.sync_copy(zeros_hbm.at[pl.ds(s * ZPT, ZPT)],
                    acc.at[pl.ds(s * ZPT, ZPT)])
    pltpu.sync_copy(send_hbm.at[pl.ds(ebase, EPTC)], idx_s)
    pltpu.sync_copy(recv_hbm.at[pl.ds(ebase, EPTC)], idx_r)
    pltpu.sync_copy(ps_hbm.at[pl.ds(ebase, EPTC)], rows_s)
    pltpu.sync_copy(pr_hbm.at[pl.ds(ebase, EPTC)], rows_r)
    for j in range(EPTC // 16):
        sl = pl.ds(j * 16, 16)
        for idx_ref in (idx_s, idx_r):
            v = idx_ref[sl] - lo
            inb = (v >= 0) & (v < HALF)
            idx_ref[sl] = jnp.where(inb, v, HALF)
    plsc.subcore_barrier()
    pltpu.sync_copy(rows_s, acc.at[idx_s], add=True)
    pltpu.sync_copy(rows_r, acc.at[idx_r], add=True)
    plsc.subcore_barrier()
    pltpu.sync_copy(acc.at[pl.ds(s * OPT, OPT)],
                    out_hbm.at[pl.ds(c * HALF + s * OPT, OPT)])


E_BLK = 256

def _edge_body(g_ref, e_ref, s_ref, r_ref, w1_ref, b1_ref, w2_ref, b2_ref,
               wn_ref, enew_ref, ps_ref, pr_ref):
    ge = jnp.dot(g_ref[...], w1_ref[DE + 2 * D:, :],
                 preferred_element_type=jnp.float32) + b1_ref[...]
    h = jnp.dot(e_ref[...], w1_ref[:DE, :], preferred_element_type=jnp.float32)
    h = h + jnp.dot(s_ref[...], w1_ref[DE:DE + D, :],
                    preferred_element_type=jnp.float32)
    h = h + jnp.dot(r_ref[...], w1_ref[DE + D:DE + 2 * D, :],
                    preferred_element_type=jnp.float32)
    h = jnp.maximum(h + ge, 0.0)
    e2 = jnp.maximum(jnp.dot(h, w2_ref[...], preferred_element_type=jnp.float32)
                     + b2_ref[...], 0.0)
    enew_ref[...] = e2
    ps_ref[...] = jnp.dot(e2, wn_ref[D:D + E, :],
                          preferred_element_type=jnp.float32)
    pr_ref[...] = jnp.dot(e2, wn_ref[D + E:D + 2 * E, :],
                          preferred_element_type=jnp.float32)


def _edge_stage(globals_, edges, sent, recv, W_e1, b_e1, W_e2, b_e2, W_n1):
    in_e = DE + 2 * D + DG
    in_n = D + 2 * E + DG
    full = lambda shape: pl.BlockSpec(shape, lambda i: (0, 0))
    return pl.pallas_call(
        _edge_body,
        grid=(E // E_BLK,),
        in_specs=[
            full((1, DG)),
            pl.BlockSpec((E_BLK, DE), lambda i: (i, 0)),
            pl.BlockSpec((E_BLK, D), lambda i: (i, 0)),
            pl.BlockSpec((E_BLK, D), lambda i: (i, 0)),
            full((in_e, E)),
            full((1, E)),
            full((E, E)),
            full((1, E)),
            full((in_n, D)),
        ],
        out_specs=[
            pl.BlockSpec((E_BLK, E), lambda i: (i, 0)),
            pl.BlockSpec((E_BLK, D), lambda i: (i, 0)),
            pl.BlockSpec((E_BLK, D), lambda i: (i, 0)),
        ],
        out_shape=[
            jax.ShapeDtypeStruct((E, E), jnp.float32),
            jax.ShapeDtypeStruct((E, D), jnp.float32),
            jax.ShapeDtypeStruct((E, D), jnp.float32),
        ],
    )(globals_, edges, sent, recv, W_e1, b_e1[None, :], W_e2, b_e2[None, :],
      W_n1)


N_BLK = 1000

def _node_body(g_ref, x_ref, p_ref, wn_ref, wg_ref, b1_ref,
               w2_ref, b2_ref, out_ref):
    gb = jnp.dot(g_ref[...], wg_ref[...],
                 preferred_element_type=jnp.float32) + b1_ref[...]
    h = jnp.dot(x_ref[...], wn_ref[...], preferred_element_type=jnp.float32)
    h = jnp.maximum(h + p_ref[...] + gb, 0.0)
    out_ref[...] = jnp.maximum(
        jnp.dot(h, w2_ref[...], preferred_element_type=jnp.float32)
        + b2_ref[...], 0.0)


def _node_stage(globals_, nodes, parts, W_n1, b_n1, W_n2, b_n2):
    full = lambda shape: pl.BlockSpec(shape, lambda i: (0, 0))
    return pl.pallas_call(
        _node_body,
        grid=(N // N_BLK,),
        in_specs=[
            full((1, DG)),
            pl.BlockSpec((N_BLK, D), lambda i: (i, 0)),
            pl.BlockSpec((N_BLK, D), lambda i: (i, 0)),
            full((D, D)),
            full((DG, D)),
            full((1, D)),
            full((D, D)),
            full((1, D)),
        ],
        out_specs=pl.BlockSpec((N_BLK, D), lambda i: (i, 0)),
        out_shape=jax.ShapeDtypeStruct((N, D), jnp.float32),
    )(globals_, nodes, parts, W_n1[:D], W_n1[D + 2 * E:], b_n1[None, :],
      W_n2, b_n2[None, :])


def kernel(nodes, edges, receivers, senders, globals_, n_node, n_edge,
           W_e1, b_e1, W_e2, b_e2, W_n1, b_n1, W_n2, b_n2):
    sent, recv = _sc_gather(nodes, senders, receivers)

    edges_new, Ps, Pr = _edge_stage(globals_, edges, sent, recv,
                                    W_e1, b_e1, W_e2, b_e2, W_n1)

    zeros = jnp.zeros((ACC_ROWS, D), jnp.float32)
    part = _sc_scatter(zeros, Ps, Pr, senders, receivers)

    nodes_new = _node_stage(globals_, nodes, part, W_n1, b_n1, W_n2, b_n2)
    return (nodes_new, edges_new, receivers, senders, globals_, n_node, n_edge)

# --- scband reference (transcript-rebuilt; emitter-appended) ---
"""Pipeline reference for scband-graph-net-30915174596644 (READ-ONLY COPY).

The authoritative reference and input builder live on the scoring server;
editing this copy changes nothing except your own understanding.
"""

import jax, jax.numpy as jnp
import numpy as np

N = 10000
E = 2048
D_FEAT = 128
D_EDGE = 16
D_GLOBAL = 8


def setup_inputs(seed: int = 0) -> dict:
    key = jax.random.key(seed)
    ks = jax.random.split(key, 20)
    nodes = jax.random.normal(ks[0], (N, D_FEAT), dtype=jnp.float32)
    edges = jax.random.normal(ks[1], (E, D_EDGE), dtype=jnp.float32)
    senders = jax.random.randint(ks[2], (E,), 0, N, dtype=jnp.int32)
    receivers = jax.random.randint(ks[3], (E,), 0, N, dtype=jnp.int32)
    globals_ = jax.random.normal(ks[4], (1, D_GLOBAL), dtype=jnp.float32)
    n_node = jnp.array([N], dtype=jnp.int32)
    n_edge = jnp.array([E], dtype=jnp.int32)
    in_e = D_EDGE + 2 * D_FEAT + D_GLOBAL
    in_n = D_FEAT + 2 * E + D_GLOBAL
    def dense(k, fi, fo):
        return jax.random.normal(k, (fi, fo), dtype=jnp.float32) / np.sqrt(fi)
    # edge MLP: feature_sizes = [len(edges)] * hidden_layers = [E, E]
    W_e1 = dense(ks[5], in_e, E)
    b_e1 = jnp.zeros((E,), jnp.float32)
    W_e2 = dense(ks[6], E, E)
    b_e2 = jnp.zeros((E,), jnp.float32)
    # node MLP: feature_sizes = [d_feat] * hidden_layers = [D_FEAT, D_FEAT]
    W_n1 = dense(ks[7], in_n, D_FEAT)
    b_n1 = jnp.zeros((D_FEAT,), jnp.float32)
    W_n2 = dense(ks[8], D_FEAT, D_FEAT)
    b_n2 = jnp.zeros((D_FEAT,), jnp.float32)
    return {"nodes": nodes, "edges": edges, "receivers": receivers, "senders": senders,
            "globals_": globals_, "n_node": n_node, "n_edge": n_edge,
            "W_e1": W_e1, "b_e1": b_e1, "W_e2": W_e2, "b_e2": b_e2,
            "W_n1": W_n1, "b_n1": b_n1, "W_n2": W_n2, "b_n2": b_n2}


def _mlp(x, Ws, bs):
    for W, b in zip(Ws, bs):
        x = jax.nn.relu(x @ W + b)
    return x


def reference(nodes, edges, receivers, senders, globals_, n_node, n_edge,
              W_e1, b_e1, W_e2, b_e2, W_n1, b_n1, W_n2, b_n2):
    # jraph.GraphNetwork with concatenated_args MLPs (embedder/decoder are
    # constructed but never applied in the original compact __call__).
    # --- edge update: update_edge_fn(edges, nodes[senders], nodes[receivers], globals) ---
    sent = jnp.take(nodes, senders, axis=0)
    recv = jnp.take(nodes, receivers, axis=0)
    g_e = jnp.broadcast_to(globals_[0], (E, D_GLOBAL))
    e_in = jnp.concatenate([edges, sent, recv, g_e], axis=-1)
    edges_new = _mlp(e_in, [W_e1, W_e2], [b_e1, b_e2])
    # --- node update: update_node_fn(nodes, sum_out_edges, sum_in_edges, globals) ---
    sent_agg = jax.ops.segment_sum(edges_new, senders, num_segments=N)
    recv_agg = jax.ops.segment_sum(edges_new, receivers, num_segments=N)
    g_n = jnp.broadcast_to(globals_[0], (N, D_GLOBAL))
    n_in = jnp.concatenate([nodes, sent_agg, recv_agg, g_n], axis=-1)
    nodes_new = _mlp(n_in, [W_n1, W_n2], [b_n1, b_n2])
    # update_global_fn=None -> globals unchanged; decoder never applied
    return (nodes_new, edges_new, receivers, senders, globals_, n_node, n_edge)

if __name__ == "__main__":
    import jax
    _d = setup_inputs()
    print(jax.jit(kernel)(*tuple(_d.values())))

</pallas_src>

<mosaic_0001>
#map = affine_map<(d0, d1) -> (0, 0)>
#map1 = affine_map<(d0, d1) -> (0)>
module attributes {stable_mosaic.version = 14 : i64} {
  func.func @_sc_gather(%arg0: i32, %arg1: i32, %arg2: memref<10000x128xf32, #tpu.memory_space<hbm>>, %arg3: memref<2048xi32, #tpu.memory_space<hbm>>, %arg4: memref<2048xi32, #tpu.memory_space<hbm>>, %arg5: memref<2048x128xf32, #tpu.memory_space<hbm>>, %arg6: memref<2048x128xf32, #tpu.memory_space<hbm>>, %arg7: memref<64xi32, #tpu.memory_space<vmem>>, %arg8: memref<64xi32, #tpu.memory_space<vmem>>, %arg9: memref<64x128xf32, #tpu.memory_space<vmem>>, %arg10: memref<64x128xf32, #tpu.memory_space<vmem>>, %arg11: memref<!tpu.dma_semaphore, #tpu.memory_space<semaphore_mem>>, %arg12: memref<!tpu.dma_semaphore, #tpu.memory_space<semaphore_mem>>) attributes {dimension_semantics = [#tpu.dimension_semantics<core_parallel>, #tpu.dimension_semantics<subcore_parallel>], iteration_bounds = array<i64: 2, 16>, scalar_prefetch = 0 : i64, scratch_operands = 6 : i64, tpu.core_type = #tpu.core_type<sc_vector_subcore>, window_params = [{transform_indices = #map}, {transform_indices = #map1}, {transform_indices = #map1}, {transform_indices = #map}, {transform_indices = #map}]} {
    %mul3A = arith.constant 16 : i32
    %mul3A_0 = arith.muli %arg0, %mul3A : i32
    %add3A = arith.addi %mul3A_0, %arg1 : i32
    %mul3A_1 = arith.constant 64 : i32
    %mul3A_2 = arith.muli %add3A, %mul3A_1 : i32
    "tpu.region"() ({
      %run_scoped3A = tpu.sem_alloc : memref<!tpu.dma_semaphore, #tpu.memory_space<semaphore_mem>>
      %dma_start3A_13 = tpu.memref_slice %arg3[%mul3A_2] : memref<2048xi32, #tpu.memory_space<hbm>> -> memref<64xi32, #tpu.memory_space<hbm>>
      %dma_start3A_14 = tpu.memref_slice %arg3[%mul3A_2] : memref<2048xi32, #tpu.memory_space<hbm>> -> memref<64xi32, #tpu.memory_space<hbm>>
      tpu.enqueue_dma source(%dma_start3A_14 : memref<64xi32, #tpu.memory_space<hbm>>) target(%arg7 : memref<64xi32, #tpu.memory_space<vmem>>) target_semaphore(%run_scoped3A : memref<!tpu.dma_semaphore, #tpu.memory_space<semaphore_mem>>)
      %dma_wait3A_15 = tpu.memref_slice %arg3[%mul3A_2] : memref<2048xi32, #tpu.memory_space<hbm>> -> memref<64xi32, #tpu.memory_space<hbm>>
      %dma_wait3A_16 = tpu.memref_slice %arg3[%mul3A_2] : memref<2048xi32, #tpu.memory_space<hbm>> -> memref<64xi32, #tpu.memory_space<hbm>>
      tpu.wait_dma2 semaphore(%run_scoped3A : memref<!tpu.dma_semaphore, #tpu.memory_space<semaphore_mem>>) src(%dma_wait3A_16 : memref<64xi32, #tpu.memory_space<hbm>>) dst(%arg7 : memref<64xi32, #tpu.memory_space<vmem>>)
      tpu.yield
    }) : () -> ()
    "tpu.region"() ({
      %run_scoped3A = tpu.sem_alloc : memref<!tpu.dma_semaphore, #tpu.memory_space<semaphore_mem>>
      %dma_start3A_13 = tpu.memref_slice %arg4[%mul3A_2] : memref<2048xi32, #tpu.memory_space<hbm>> -> memref<64xi32, #tpu.memory_space<hbm>>
      %dma_start3A_14 = tpu.memref_slice %arg4[%mul3A_2] : memref<2048xi32, #tpu.memory_space<hbm>> -> memref<64xi32, #tpu.memory_space<hbm>>
      tpu.enqueue_dma source(%dma_start3A_14 : memref<64xi32, #tpu.memory_space<hbm>>) target(%arg8 : memref<64xi32, #tpu.memory_space<vmem>>) target_semaphore(%run_scoped3A : memref<!tpu.dma_semaphore, #tpu.memory_space<semaphore_mem>>)
      %dma_wait3A_15 = tpu.memref_slice %arg4[%mul3A_2] : memref<2048xi32, #tpu.memory_space<hbm>> -> memref<64xi32, #tpu.memory_space<hbm>>
      %dma_wait3A_16 = tpu.memref_slice %arg4[%mul3A_2] : memref<2048xi32, #tpu.memory_space<hbm>> -> memref<64xi32, #tpu.memory_space<hbm>>
      tpu.wait_dma2 semaphore(%run_scoped3A : memref<!tpu.dma_semaphore, #tpu.memory_space<semaphore_mem>>) src(%dma_wait3A_16 : memref<64xi32, #tpu.memory_space<hbm>>) dst(%arg8 : memref<64xi32, #tpu.memory_space<vmem>>)
      tpu.yield
    }) : () -> ()
    %dma_start3A = arith.constant 0 : i32
    %dma_start3A_3 = arith.constant 0 : i32
    %dma_start3A_4 = tpu.memref_slice %arg2[%dma_start3A, %dma_start3A_3] : memref<10000x128xf32, #tpu.memory_space<hbm>> -> memref<10000x128xf32, #tpu.memory_space<hbm>>
    tpu.enqueue_indirect_dma source(%dma_start3A_4 : memref<10000x128xf32, #tpu.memory_space<hbm>>) target(%arg9 : memref<64x128xf32, #tpu.memory_space<vmem>>) offsets(%arg7 : memref<64xi32, #tpu.memory_space<vmem>>) semaphore(%arg11 : memref<!tpu.dma_semaphore, #tpu.memory_space<semaphore_mem>>)
    %dma_start3A_5 = arith.constant 0 : i32
    %dma_start3A_6 = arith.constant 0 : i32
    %dma_start3A_7 = tpu.memref_slice %arg2[%dma_start3A_5, %dma_start3A_6] : memref<10000x128xf32, #tpu.memory_space<hbm>> -> memref<10000x128xf32, #tpu.memory_space<hbm>>
    tpu.enqueue_indirect_dma source(%dma_start3A_7 : memref<10000x128xf32, #tpu.memory_space<hbm>>) target(%arg10 : memref<64x128xf32, #tpu.memory_space<vmem>>) offsets(%arg8 : memref<64xi32, #tpu.memory_space<vmem>>) semaphore(%arg12 : memref<!tpu.dma_semaphore, #tpu.memory_space<semaphore_mem>>)
    %dma_wait3A = arith.constant 0 : i32
    %dma_wait3A_8 = arith.constant 0 : i32
    %dma_wait3A_9 = tpu.memref_slice %arg2[%dma_wait3A, %dma_wait3A_8] : memref<10000x128xf32, #tpu.memory_space<hbm>> -> memref<10000x128xf32, #tpu.memory_space<hbm>>
    tpu.wait_indirect_dma semaphore(%arg11 : memref<!tpu.dma_semaphore, #tpu.memory_space<semaphore_mem>>) src(%dma_wait3A_9 : memref<10000x128xf32, #tpu.memory_space<hbm>>) dst(%arg9 : memref<64x128xf32, #tpu.memory_space<vmem>>)
    %dma_wait3A_10 = arith.constant 0 : i32
    %dma_wait3A_11 = arith.constant 0 : i32
    %dma_wait3A_12 = tpu.memref_slice %arg2[%dma_wait3A_10, %dma_wait3A_11] : memref<10000x128xf32, #tpu.memory_space<hbm>> -> memref<10000x128xf32, #tpu.memory_space<hbm>>
    tpu.wait_indirect_dma semaphore(%arg12 : memref<!tpu.dma_semaphore, #tpu.memory_space<semaphore_mem>>) src(%dma_wait3A_12 : memref<10000x128xf32, #tpu.memory_space<hbm>>) dst(%arg10 : memref<64x128xf32, #tpu.memory_space<vmem>>)
    "tpu.region"() ({
      %run_scoped3A = tpu.sem_alloc : memref<!tpu.dma_semaphore, #tpu.memory_space<semaphore_mem>>
      %dma_start3A_13 = arith.constant 0 : i32
      %dma_start3A_14 = tpu.memref_slice %arg5[%mul3A_2, %dma_start3A_13] : memref<2048x128xf32, #tpu.memory_space<hbm>> -> memref<64x128xf32, #tpu.memory_space<hbm>>
      %dma_start3A_15 = arith.constant 0 : i32
      %dma_start3A_16 = tpu.memref_slice %arg5[%mul3A_2, %dma_start3A_15] : memref<2048x128xf32, #tpu.memory_space<hbm>> -> memref<64x128xf32, #tpu.memory_space<hbm>>
      tpu.enqueue_dma source(%arg9 : memref<64x128xf32, #tpu.memory_space<vmem>>) target(%dma_start3A_16 : memref<64x128xf32, #tpu.memory_space<hbm>>) target_semaphore(%run_scoped3A : memref<!tpu.dma_semaphore, #tpu.memory_space<semaphore_mem>>)
      %dma_wait3A_17 = arith.constant 0 : i32
      %dma_wait3A_18 = tpu.memref_slice %arg5[%mul3A_2, %dma_wait3A_17] : memref<2048x128xf32, #tpu.memory_space<hbm>> -> memref<64x128xf32, #tpu.memory_space<hbm>>
      %dma_wait3A_19 = arith.constant 0 : i32
      %dma_wait3A_20 = tpu.memref_slice %arg5[%mul3A_2, %dma_wait3A_19] : memref<2048x128xf32, #tpu.memory_space<hbm>> -> memref<64x128xf32, #tpu.memory_space<hbm>>
      tpu.wait_dma2 semaphore(%run_scoped3A : memref<!tpu.dma_semaphore, #tpu.memory_space<semaphore_mem>>) src(%arg9 : memref<64x128xf32, #tpu.memory_space<vmem>>) dst(%dma_wait3A_20 : memref<64x128xf32, #tpu.memory_space<hbm>>)
      tpu.yield
    }) : () -> ()
    "tpu.region"() ({
      %run_scoped3A = tpu.sem_alloc : memref<!tpu.dma_semaphore, #tpu.memory_space<semaphore_mem>>
      %dma_start3A_13 = arith.constant 0 : i32
      %dma_start3A_14 = tpu.memref_slice %arg6[%mul3A_2, %dma_start3A_13] : memref<2048x128xf32, #tpu.memory_space<hbm>> -> memref<64x128xf32, #tpu.memory_space<hbm>>
      %dma_start3A_15 = arith.constant 0 : i32
      %dma_start3A_16 = tpu.memref_slice %arg6[%mul3A_2, %dma_start3A_15] : memref<2048x128xf32, #tpu.memory_space<hbm>> -> memref<64x128xf32, #tpu.memory_space<hbm>>
      tpu.enqueue_dma source(%arg10 : memref<64x128xf32, #tpu.memory_space<vmem>>) target(%dma_start3A_16 : memref<64x128xf32, #tpu.memory_space<hbm>>) target_semaphore(%run_scoped3A : memref<!tpu.dma_semaphore, #tpu.memory_space<semaphore_mem>>)
      %dma_wait3A_17 = arith.constant 0 : i32
      %dma_wait3A_18 = tpu.memref_slice %arg6[%mul3A_2, %dma_wait3A_17] : memref<2048x128xf32, #tpu.memory_space<hbm>> -> memref<64x128xf32, #tpu.memory_space<hbm>>
      %dma_wait3A_19 = arith.constant 0 : i32
      %dma_wait3A_20 = tpu.memref_slice %arg6[%mul3A_2, %dma_wait3A_19] : memref<2048x128xf32, #tpu.memory_space<hbm>> -> memref<64x128xf32, #tpu.memory_space<hbm>>
      tpu.wait_dma2 semaphore(%run_scoped3A : memref<!tpu.dma_semaphore, #tpu.memory_space<semaphore_mem>>) src(%arg10 : memref<64x128xf32, #tpu.memory_space<vmem>>) dst(%dma_wait3A_20 : memref<64x128xf32, #tpu.memory_space<hbm>>)
      tpu.yield
    }) : () -> ()
    return
  }
}

#map = affine_map<(d0, d1) -> (0, 0)>
#map1 = affine_map<(d0, d1) -> (0)>
module attributes {stable_mosaic.version = 14 : i64} {
  func.func @_sc_scatter(%arg0: i32, %arg1: i32, %arg2: memref<5248x128xf32, #tpu.memory_space<hbm>>, %arg3: memref<2048x128xf32, #tpu.memory_space<hbm>>, %arg4: memref<2048x128xf32, #tpu.memory_space<hbm>>, %arg5: memref<2048xi32, #tpu.memory_space<hbm>>, %arg6: memref<2048xi32, #tpu.memory_space<hbm>>, %arg7: memref<10240x128xf32, #tpu.memory_space<hbm>>, %arg8: memref<128xi32, #tpu.memory_space<vmem>>, %arg9: memref<128xi32, #tpu.memory_space<vmem>>, %arg10: memref<128x128xf32, #tpu.memory_space<vmem>>, %arg11: memref<128x128xf32, #tpu.memory_space<vmem>>, %arg12: memref<5248x128xf32, #tpu.memory_space<vmem_shared>>) attributes {dimension_semantics = [#tpu.dimension_semantics<core_parallel>, #tpu.dimension_semantics<subcore_parallel>], iteration_bounds = array<i64: 2, 16>, scalar_prefetch = 0 : i64, scratch_operands = 5 : i64, tpu.core_type = #tpu.core_type<sc_vector_subcore>, window_params = [{transform_indices = #map}, {transform_indices = #map}, {transform_indices = #map}, {transform_indices = #map1}, {transform_indices = #map1}, {transform_indices = #map}]} {
    %mul3A = arith.constant 128 : i32
    %mul3A_0 = arith.muli %arg1, %mul3A : i32
    %mul3A_1 = arith.constant 5120 : i32
    %mul3A_2 = arith.muli %arg0, %mul3A_1 : i32
    %mul3A_3 = arith.constant 328 : i32
    %mul3A_4 = arith.muli %arg1, %mul3A_3 : i32
    %mul3A_5 = arith.constant 328 : i32
    %mul3A_6 = arith.muli %arg1, %mul3A_5 : i32
    "tpu.region"() ({
      %run_scoped3A = tpu.sem_alloc : memref<!tpu.dma_semaphore, #tpu.memory_space<semaphore_mem>>
      %dma_start3A = arith.constant 0 : i32
      %dma_start3A_309 = tpu.memref_slice %arg12[%mul3A_6, %dma_start3A] : memref<5248x128xf32, #tpu.memory_space<vmem_shared>> -> memref<328x128xf32, #tpu.memory_space<vmem_shared>>
      %dma_start3A_310 = arith.constant 0 : i32
      %dma_start3A_311 = tpu.memref_slice %arg2[%mul3A_4, %dma_start3A_310] : memref<5248x128xf32, #tpu.memory_space<hbm>> -> memref<328x128xf32, #tpu.memory_space<hbm>>
      tpu.enqueue_dma source(%dma_start3A_311 : memref<328x128xf32, #tpu.memory_space<hbm>>) target(%dma_start3A_309 : memref<328x128xf32, #tpu.memory_space<vmem_shared>>) target_semaphore(%run_scoped3A : memref<!tpu.dma_semaphore, #tpu.memory_space<semaphore_mem>>)
      %dma_wait3A = arith.constant 0 : i32
      %dma_wait3A_312 = tpu.memref_slice %arg12[%mul3A_6, %dma_wait3A] : memref<5248x128xf32, #tpu.memory_space<vmem_shared>> -> memref<328x128xf32, #tpu.memory_space<vmem_shared>>
      %dma_wait3A_313 = arith.constant 0 : i32
      %dma_wait3A_314 = tpu.memref_slice %arg2[%mul3A_4, %dma_wait3A_313] : memref<5248x128xf32, #tpu.memory_space<hbm>> -> memref<328x128xf32, #tpu.memory_space<hbm>>
      tpu.wait_dma2 semaphore(%run_scoped3A : memref<!tpu.dma_semaphore, #tpu.memory_space<semaphore_mem>>) src(%dma_wait3A_314 : memref<328x128xf32, #tpu.memory_space<hbm>>) dst(%dma_wait3A_312 : memref<328x128xf32, #tpu.memory_space<vmem_shared>>)
      tpu.yield
    }) : () -> ()
    "tpu.region"() ({
      %run_scoped3A = tpu.sem_alloc : memref<!tpu.dma_semaphore, #tpu.memory_space<semaphore_mem>>
      %dma_start3A = tpu.memref_slice %arg5[%mul3A_0] : memref<2048xi32, #tpu.memory_space<hbm>> -> memref<128xi32, #tpu.memory_space<hbm>>
      %dma_start3A_309 = tpu.memref_slice %arg5[%mul3A_0] : memref<2048xi32, #tpu.memory_space<hbm>> -> memref<128xi32, #tpu.memory_space<hbm>>
      tpu.enqueue_dma source(%dma_start3A_309 : memref<128xi32, #tpu.memory_space<hbm>>) target(%arg8 : memref<128xi32, #tpu.memory_space<vmem>>) target_semaphore(%run_scoped3A : memref<!tpu.dma_semaphore, #tpu.memory_space<semaphore_mem>>)
      %dma_wait3A = tpu.memref_slice %arg5[%mul3A_0] : memref<2048xi32, #tpu.memory_space<hbm>> -> memref<128xi32, #tpu.memory_space<hbm>>
      %dma_wait3A_310 = tpu.memref_slice %arg5[%mul3A_0] : memref<2048xi32, #tpu.memory_space<hbm>> -> memref<128xi32, #tpu.memory_space<hbm>>
      tpu.wait_dma2 semaphore(%run_scoped3A : memref<!tpu.dma_semaphore, #tpu.memory_space<semaphore_mem>>) src(%dma_wait3A_310 : memref<128xi32, #tpu.memory_space<hbm>>) dst(%arg8 : memref<128xi32, #tpu.memory_space<vmem>>)
      tpu.yield
    }) : () -> ()
    "tpu.region"() ({
      %run_scoped3A = tpu.sem_alloc : memref<!tpu.dma_semaphore, #tpu.memory_space<semaphore_mem>>
      %dma_start3A = tpu.memref_slice %arg6[%mul3A_0] : memref<2048xi32, #tpu.memory_space<hbm>> -> memref<128xi32, #tpu.memory_space<hbm>>
      %dma_start3A_309 = tpu.memref_slice %arg6[%mul3A_0] : memref<2048xi32, #tpu.memory_space<hbm>> -> memref<128xi32, #tpu.memory_space<hbm>>
      tpu.enqueue_dma source(%dma_start3A_309 : memref<128xi32, #tpu.memory_space<hbm>>) target(%arg9 : memref<128xi32, #tpu.memory_space<vmem>>) target_semaphore(%run_scoped3A : memref<!tpu.dma_semaphore, #tpu.memory_space<semaphore_mem>>)
      %dma_wait3A = tpu.memref_slice %arg6[%mul3A_0] : memref<2048xi32, #tpu.memory_space<hbm>> -> memref<128xi32, #tpu.memory_space<hbm>>
      %dma_wait3A_310 = tpu.memref_slice %arg6[%mul3A_0] : memref<2048xi32, #tpu.memory_space<hbm>> -> memref<128xi32, #tpu.memory_space<hbm>>
      tpu.wait_dma2 semaphore(%run_scoped3A : memref<!tpu.dma_semaphore, #tpu.memory_space<semaphore_mem>>) src(%dma_wait3A_310 : memref<128xi32, #tpu.memory_space<hbm>>) dst(%arg9 : memref<128xi32, #tpu.memory_space<vmem>>)
      tpu.yield
    }) : () -> ()
    "tpu.region"() ({
      %run_scoped3A = tpu.sem_alloc : memref<!tpu.dma_semaphore, #tpu.memory_space<semaphore_mem>>
      %dma_start3A = arith.constant 0 : i32
      %dma_start3A_309 = tpu.memref_slice %arg3[%mul3A_0, %dma_start3A] : memref<2048x128xf32, #tpu.memory_space<hbm>> -> memref<128x128xf32, #tpu.memory_space<hbm>>
      %dma_start3A_310 = arith.constant 0 : i32
      %dma_start3A_311 = tpu.memref_slice %arg3[%mul3A_0, %dma_start3A_310] : memref<2048x128xf32, #tpu.memory_space<hbm>> -> memref<128x128xf32, #tpu.memory_space<hbm>>
      tpu.enqueue_dma source(%dma_start3A_311 : memref<128x128xf32, #tpu.memory_space<hbm>>) target(%arg10 : memref<128x128xf32, #tpu.memory_space<vmem>>) target_semaphore(%run_scoped3A : memref<!tpu.dma_semaphore, #tpu.memory_space<semaphore_mem>>)
      %dma_wait3A = arith.constant 0 : i32
      %dma_wait3A_312 = tpu.memref_slice %arg3[%mul3A_0, %dma_wait3A] : memref<2048x128xf32, #tpu.memory_space<hbm>> -> memref<128x128xf32, #tpu.memory_space<hbm>>
      %dma_wait3A_313 = arith.constant 0 : i32
      %dma_wait3A_314 = tpu.memref_slice %arg3[%mul3A_0, %dma_wait3A_313] : memref<2048x128xf32, #tpu.memory_space<hbm>> -> memref<128x128xf32, #tpu.memory_space<hbm>>
      tpu.wait_dma2 semaphore(%run_scoped3A : memref<!tpu.dma_semaphore, #tpu.memory_space<semaphore_mem>>) src(%dma_wait3A_314 : memref<128x128xf32, #tpu.memory_space<hbm>>) dst(%arg10 : memref<128x128xf32, #tpu.memory_space<vmem>>)
      tpu.yield
    }) : () -> ()
    "tpu.region"() ({
      %run_scoped3A = tpu.sem_alloc : memref<!tpu.dma_semaphore, #tpu.memory_space<semaphore_mem>>
      %dma_start3A = arith.constant 0 : i32
      %dma_start3A_309 = tpu.memref_slice %arg4[%mul3A_0, %dma_start3A] : memref<2048x128xf32, #tpu.memory_space<hbm>> -> memref<128x128xf32, #tpu.memory_space<hbm>>
      %dma_start3A_310 = arith.constant 0 : i32
      %dma_start3A_311 = tpu.memref_slice %arg4[%mul3A_0, %dma_start3A_310] : memref<2048x128xf32, #tpu.memory_space<hbm>> -> memref<128x128xf32, #tpu.memory_space<hbm>>
      tpu.enqueue_dma source(%dma_start3A_311 : memref<128x128xf32, #tpu.memory_space<hbm>>) target(%arg11 : memref<128x128xf32, #tpu.memory_space<vmem>>) target_semaphore(%run_scoped3A : memref<!tpu.dma_semaphore, #tpu.memory_space<semaphore_mem>>)
      %dma_wait3A = arith.constant 0 : i32
      %dma_wait3A_312 = tpu.memref_slice %arg4[%mul3A_0, %dma_wait3A] : memref<2048x128xf32, #tpu.memory_space<hbm>> -> memref<128x128xf32, #tpu.memory_space<hbm>>
      %dma_wait3A_313 = arith.constant 0 : i32
      %dma_wait3A_314 = tpu.memref_slice %arg4[%mul3A_0, %dma_wait3A_313] : memref<2048x128xf32, #tpu.memory_space<hbm>> -> memref<128x128xf32, #tpu.memory_space<hbm>>
      tpu.wait_dma2 semaphore(%run_scoped3A : memref<!tpu.dma_semaphore, #tpu.memory_space<semaphore_mem>>) src(%dma_wait3A_314 : memref<128x128xf32, #tpu.memory_space<hbm>>) dst(%arg11 : memref<128x128xf32, #tpu.memory_space<vmem>>)
      tpu.yield
    }) : () -> ()
    %get3A = arith.constant 0 : index
    %get3A_7 = tpu.vector_load %arg8[%get3A] {strides = array<i32>} : memref<128xi32, #tpu.memory_space<vmem>>, vector<16xi32>,
    %get3A_8 = vector.shape_cast %get3A_7 : vector<16xi32> to vector<16xi32>
    %sub3A = vector.broadcast %mul3A_2 : i32 to vector<16xi32>
    %sub3A_9 = arith.subi %get3A_8, %sub3A : vector<16xi32>
    %ge3A = arith.constant 0 : i32
    %ge3A_10 = vector.broadcast %ge3A : i32 to vector<16xi32>
    %ge3A_11 = arith.cmpi sge, %sub3A_9, %ge3A_10 : vector<16xi32>
    %lt3A = arith.constant 5120 : i32
    %lt3A_12 = vector.broadcast %lt3A : i32 to vector<16xi32>
    %lt3A_13 = arith.cmpi slt, %sub3A_9, %lt3A_12 : vector<16xi32>
    %and3A = arith.andi %ge3A_11, %lt3A_13 : vector<16xi1>
    %jit3A = arith.constant 5120 : i32
    %broadcast_in_dim3A = vector.broadcast %jit3A : i32 to vector<16xi32>
    %select_n3A = arith.select %and3A, %sub3A_9, %broadcast_in_dim3A : vector<16xi1>, vector<16xi32>
    %swap3A = arith.constant 0 : index
    %swap3A_14 = tpu.vector_load %arg8[%swap3A] {strides = array<i32>} : memref<128xi32, #tpu.memory_space<vmem>>, vector<16xi32>,
    %swap3A_15 = vector.shape_cast %swap3A_14 : vector<16xi32> to vector<16xi32>
    %swap3A_16 = vector.shape_cast %select_n3A : vector<16xi32> to vector<16xi32>
    tpu.vector_store %arg8[%swap3A], %swap3A_16 {strides = array<i32>} : memref<128xi32, #tpu.memory_space<vmem>>, vector<16xi32>,
    %get3A_17 = arith.constant 0 : index
    %get3A_18 = tpu.vector_load %arg9[%get3A_17] {strides = array<i32>} : memref<128xi32, #tpu.memory_space<vmem>>, vector<16xi32>,
    %get3A_19 = vector.shape_cast %get3A_18 : vector<16xi32> to vector<16xi32>
    %sub3A_20 = vector.broadcast %mul3A_2 : i32 to vector<16xi32>
    %sub3A_21 = arith.subi %get3A_19, %sub3A_20 : vector<16xi32>
    %ge3A_22 = arith.constant 0 : i32
    %ge3A_23 = vector.broadcast %ge3A_22 : i32 to vector<16xi32>
    %ge3A_24 = arith.cmpi sge, %sub3A_21, %ge3A_23 : vector<16xi32>
    %lt3A_25 = arith.constant 5120 : i32
    %lt3A_26 = vector.broadcast %lt3A_25 : i32 to vector<16xi32>
    %lt3A_27 = arith.cmpi slt, %sub3A_21, %lt3A_26 : vector<16xi32>
    %and3A_28 = arith.andi %ge3A_24, %lt3A_27 : vector<16xi1>
    %jit3A_29 = arith.constant 5120 : i32
    %broadcast_in_dim3A_30 = vector.broadcast %jit3A_29 : i32 to vector<16xi32>
    %select_n3A_31 = arith.select %and3A_28, %sub3A_21, %broadcast_in_dim3A_30 : vector<16xi1>, vector<16xi32>
    %swap3A_32 = arith.constant 0 : index
    %swap3A_33 = tpu.vector_load %arg9[%swap3A_32] {strides = array<i32>} : memref<128xi32, #tpu.memory_space<vmem>>, vector<16xi32>,
    %swap3A_34 = vector.shape_cast %swap3A_33 : vector<16xi32> to vector<16xi32>
    %swap3A_35 = vector.shape_cast %select_n3A_31 : vector<16xi32> to vector<16xi32>
    tpu.vector_store %arg9[%swap3A_32], %swap3A_35 {strides = array<i32>} : memref<128xi32, #tpu.memory_space<vmem>>, vector<16xi32>,
    %get3A_36 = arith.constant 16 : index
    %get3A_37 = tpu.vector_load %arg8[%get3A_36] {strides = array<i32>} : memref<128xi32, #tpu.memory_space<vmem>>, vector<16xi32>,
    %get3A_38 = vector.shape_cast %get3A_37 : vector<16xi32> to vector<16xi32>
    %sub3A_39 = vector.broadcast %mul3A_2 : i32 to vector<16xi32>
    %sub3A_40 = arith.subi %get3A_38, %sub3A_39 : vector<16xi32>
    %ge3A_41 = arith.constant 0 : i32
    %ge3A_42 = vector.broadcast %ge3A_41 : i32 to vector<16xi32>
    %ge3A_43 = arith.cmpi sge, %sub3A_40, %ge3A_42 : vector<16xi32>
    %lt3A_44 = arith.constant 5120 : i32
    %lt3A_45 = vector.broadcast %lt3A_44 : i32 to vector<16xi32>
    %lt3A_46 = arith.cmpi slt, %sub3A_40, %lt3A_45 : vector<16xi32>
    %and3A_47 = arith.andi %ge3A_43, %lt3A_46 : vector<16xi1>
    %jit3A_48 = arith.constant 5120 : i32
    %broadcast_in_dim3A_49 = vector.broadcast %jit3A_48 : i32 to vector<16xi32>
    %select_n3A_50 = arith.select %and3A_47, %sub3A_40, %broadcast_in_dim3A_49 : vector<16xi1>, vector<16xi32>
    %swap3A_51 = arith.constant 16 : index
    %swap3A_52 = tpu.vector_load %arg8[%swap3A_51] {strides = array<i32>} : memref<128xi32, #tpu.memory_space<vmem>>, vector<16xi32>,
    %swap3A_53 = vector.shape_cast %swap3A_52 : vector<16xi32> to vector<16xi32>
    %swap3A_54 = vector.shape_cast %select_n3A_50 : vector<16xi32> to vector<16xi32>
    tpu.vector_store %arg8[%swap3A_51], %swap3A_54 {strides = array<i32>} : memref<128xi32, #tpu.memory_space<vmem>>, vector<16xi32>,
    %get3A_55 = arith.constant 16 : index
    %get3A_56 = tpu.vector_load %arg9[%get3A_55] {strides = array<i32>} : memref<128xi32, #tpu.memory_space<vmem>>, vector<16xi32>,
    %get3A_57 = vector.shape_cast %get3A_56 : vector<16xi32> to vector<16xi32>
    %sub3A_58 = vector.broadcast %mul3A_2 : i32 to vector<16xi32>
    %sub3A_59 = arith.subi %get3A_57, %sub3A_58 : vector<16xi32>
    %ge3A_60 = arith.constant 0 : i32
    %ge3A_61 = vector.broadcast %ge3A_60 : i32 to vector<16xi32>
    %ge3A_62 = arith.cmpi sge, %sub3A_59, %ge3A_61 : vector<16xi32>
    %lt3A_63 = arith.constant 5120 : i32
    %lt3A_64 = vector.broadcast %lt3A_63 : i32 to vector<16xi32>
    %lt3A_65 = arith.cmpi slt, %sub3A_59, %lt3A_64 : vector<16xi32>
    %and3A_66 = arith.andi %ge3A_62, %lt3A_65 : vector<16xi1>
    %jit3A_67 = arith.constant 5120 : i32
    %broadcast_in_dim3A_68 = vector.broadcast %jit3A_67 : i32 to vector<16xi32>
    %select_n3A_69 = arith.select %and3A_66, %sub3A_59, %broadcast_in_dim3A_68 : vector<16xi1>, vector<16xi32>
    %swap3A_70 = arith.constant 16 : index
    %swap3A_71 = tpu.vector_load %arg9[%swap3A_70] {strides = array<i32>} : memref<128xi32, #tpu.memory_space<vmem>>, vector<16xi32>,
    %swap3A_72 = vector.shape_cast %swap3A_71 : vector<16xi32> to vector<16xi32>
    %swap3A_73 = vector.shape_cast %select_n3A_69 : vector<16xi32> to vector<16xi32>
    tpu.vector_store %arg9[%swap3A_70], %swap3A_73 {strides = array<i32>} : memref<128xi32, #tpu.memory_space<vmem>>, vector<16xi32>,
    %get3A_74 = arith.constant 32 : index
    %get3A_75 = tpu.vector_load %arg8[%get3A_74] {strides = array<i32>} : memref<128xi32, #tpu.memory_space<vmem>>, vector<16xi32>,
    %get3A_76 = vector.shape_cast %get3A_75 : vector<16xi32> to vector<16xi32>
    %sub3A_77 = vector.broadcast %mul3A_2 : i32 to vector<16xi32>
    %sub3A_78 = arith.subi %get3A_76, %sub3A_77 : vector<16xi32>
    %ge3A_79 = arith.constant 0 : i32
    %ge3A_80 = vector.broadcast %ge3A_79 : i32 to vector<16xi32>
    %ge3A_81 = arith.cmpi sge, %sub3A_78, %ge3A_80 : vector<16xi32>
    %lt3A_82 = arith.constant 5120 : i32
    %lt3A_83 = vector.broadcast %lt3A_82 : i32 to vector<16xi32>
    %lt3A_84 = arith.cmpi slt, %sub3A_78, %lt3A_83 : vector<16xi32>
    %and3A_85 = arith.andi %ge3A_81, %lt3A_84 : vector<16xi1>
    %jit3A_86 = arith.constant 5120 : i32
    %broadcast_in_dim3A_87 = vector.broadcast %jit3A_86 : i32 to vector<16xi32>
    %select_n3A_88 = arith.select %and3A_85, %sub3A_78, %broadcast_in_dim3A_87 : vector<16xi1>, vector<16xi32>
    %swap3A_89 = arith.constant 32 : index
    %swap3A_90 = tpu.vector_load %arg8[%swap3A_89] {strides = array<i32>} : memref<128xi32, #tpu.memory_space<vmem>>, vector<16xi32>,
    %swap3A_91 = vector.shape_cast %swap3A_90 : vector<16xi32> to vector<16xi32>
    %swap3A_92 = vector.shape_cast %select_n3A_88 : vector<16xi32> to vector<16xi32>
    tpu.vector_store %arg8[%swap3A_89], %swap3A_92 {strides = array<i32>} : memref<128xi32, #tpu.memory_space<vmem>>, vector<16xi32>,
    %get3A_93 = arith.constant 32 : index
    %get3A_94 = tpu.vector_load %arg9[%get3A_93] {strides = array<i32>} : memref<128xi32, #tpu.memory_space<vmem>>, vector<16xi32>,
    %get3A_95 = vector.shape_cast %get3A_94 : vector<16xi32> to vector<16xi32>
    %sub3A_96 = vector.broadcast %mul3A_2 : i32 to vector<16xi32>
    %sub3A_97 = arith.subi %get3A_95, %sub3A_96 : vector<16xi32>
    %ge3A_98 = arith.constant 0 : i32
    %ge3A_99 = vector.broadcast %ge3A_98 : i32 to vector<16xi32>
    %ge3A_100 = arith.cmpi sge, %sub3A_97, %ge3A_99 : vector<16xi32>
    %lt3A_101 = arith.constant 5120 : i32
    %lt3A_102 = vector.broadcast %lt3A_101 : i32 to vector<16xi32>
    %lt3A_103 = arith.cmpi slt, %sub3A_97, %lt3A_102 : vector<16xi32>
    %and3A_104 = arith.andi %ge3A_100, %lt3A_103 : vector<16xi1>
    %jit3A_105 = arith.constant 5120 : i32
    %broadcast_in_dim3A_106 = vector.broadcast %jit3A_105 : i32 to vector<16xi32>
    %select_n3A_107 = arith.select %and3A_104, %sub3A_97, %broadcast_in_dim3A_106 : vector<16xi1>, vector<16xi32>
    %swap3A_108 = arith.constant 32 : index
    %swap3A_109 = tpu.vector_load %arg9[%swap3A_108] {strides = array<i32>} : memref<128xi32, #tpu.memory_space<vmem>>, vector<16xi32>,
    %swap3A_110 = vector.shape_cast %swap3A_109 : vector<16xi32> to vector<16xi32>
    %swap3A_111 = vector.shape_cast %select_n3A_107 : vector<16xi32> to vector<16xi32>
    tpu.vector_store %arg9[%swap3A_108], %swap3A_111 {strides = array<i32>} : memref<128xi32, #tpu.memory_space<vmem>>, vector<16xi32>,
    %get3A_112 = arith.constant 48 : index
    %get3A_113 = tpu.vector_load %arg8[%get3A_112] {strides = array<i32>} : memref<128xi32, #tpu.memory_space<vmem>>, vector<16xi32>,
    %get3A_114 = vector.shape_cast %get3A_113 : vector<16xi32> to vector<16xi32>
    %sub3A_115 = vector.broadcast %mul3A_2 : i32 to vector<16xi32>
    %sub3A_116 = arith.subi %get3A_114, %sub3A_115 : vector<16xi32>
    %ge3A_117 = arith.constant 0 : i32
    %ge3A_118 = vector.broadcast %ge3A_117 : i32 to vector<16xi32>
    %ge3A_119 = arith.cmpi sge, %sub3A_116, %ge3A_118 : vector<16xi32>
    %lt3A_120 = arith.constant 5120 : i32
    %lt3A_121 = vector.broadcast %lt3A_120 : i32 to vector<16xi32>
    %lt3A_122 = arith.cmpi slt, %sub3A_116, %lt3A_121 : vector<16xi32>
    %and3A_123 = arith.andi %ge3A_119, %lt3A_122 : vector<16xi1>
    %jit3A_124 = arith.constant 5120 : i32
    %broadcast_in_dim3A_125 = vector.broadcast %jit3A_124 : i32 to vector<16xi32>
    %select_n3A_126 = arith.select %and3A_123, %sub3A_116, %broadcast_in_dim3A_125 : vector<16xi1>, vector<16xi32>
    %swap3A_127 = arith.constant 48 : index
    %swap3A_128 = tpu.vector_load %arg8[%swap3A_127] {strides = array<i32>} : memref<128xi32, #tpu.memory_space<vmem>>, vector<16xi32>,
    %swap3A_129 = vector.shape_cast %swap3A_128 : vector<16xi32> to vector<16xi32>
    %swap3A_130 = vector.shape_cast %select_n3A_126 : vector<16xi32> to vector<16xi32>
    tpu.vector_store %arg8[%swap3A_127], %swap3A_130 {strides = array<i32>} : memref<128xi32, #tpu.memory_space<vmem>>, vector<16xi32>,
    %get3A_131 = arith.constant 48 : index
    %get3A_132 = tpu.vector_load %arg9[%get3A_131] {strides = array<i32>} : memref<128xi32, #tpu.memory_space<vmem>>, vector<16xi32>,
    %get3A_133 = vector.shape_cast %get3A_132 : vector<16xi32> to vector<16xi32>
    %sub3A_134 = vector.broadcast %mul3A_2 : i32 to vector<16xi32>
    %sub3A_135 = arith.subi %get3A_133, %sub3A_134 : vector<16xi32>
    %ge3A_136 = arith.constant 0 : i32
    %ge3A_137 = vector.broadcast %ge3A_136 : i32 to vector<16xi32>
    %ge3A_138 = arith.cmpi sge, %sub3A_135, %ge3A_137 : vector<16xi32>
    %lt3A_139 = arith.constant 5120 : i32
    %lt3A_140 = vector.broadcast %lt3A_139 : i32 to vector<16xi32>
    %lt3A_141 = arith.cmpi slt, %sub3A_135, %lt3A_140 : vector<16xi32>
    %and3A_142 = arith.andi %ge3A_138, %lt3A_141 : vector<16xi1>
    %jit3A_143 = arith.constant 5120 : i32
    %broadcast_in_dim3A_144 = vector.broadcast %jit3A_143 : i32 to vector<16xi32>
    %select_n3A_145 = arith.select %and3A_142, %sub3A_135, %broadcast_in_dim3A_144 : vector<16xi1>, vector<16xi32>
    %swap3A_146 = arith.constant 48 : index
    %swap3A_147 = tpu.vector_load %arg9[%swap3A_146] {strides = array<i32>} : memref<128xi32, #tpu.memory_space<vmem>>, vector<16xi32>,
    %swap3A_148 = vector.shape_cast %swap3A_147 : vector<16xi32> to vector<16xi32>
    %swap3A_149 = vector.shape_cast %select_n3A_145 : vector<16xi32> to vector<16xi32>
    tpu.vector_store %arg9[%swap3A_146], %swap3A_149 {strides = array<i32>} : memref<128xi32, #tpu.memory_space<vmem>>, vector<16xi32>,
    %get3A_150 = arith.constant 64 : index
    %get3A_151 = tpu.vector_load %arg8[%get3A_150] {strides = array<i32>} : memref<128xi32, #tpu.memory_space<vmem>>, vector<16xi32>,
    %get3A_152 = vector.shape_cast %get3A_151 : vector<16xi32> to vector<16xi32>
    %sub3A_153 = vector.broadcast %mul3A_2 : i32 to vector<16xi32>
    %sub3A_154 = arith.subi %get3A_152, %sub3A_153 : vector<16xi32>
    %ge3A_155 = arith.constant 0 : i32
    %ge3A_156 = vector.broadcast %ge3A_155 : i32 to vector<16xi32>
    %ge3A_157 = arith.cmpi sge, %sub3A_154, %ge3A_156 : vector<16xi32>
    %lt3A_158 = arith.constant 5120 : i32
    %lt3A_159 = vector.broadcast %lt3A_158 : i32 to vector<16xi32>
    %lt3A_160 = arith.cmpi slt, %sub3A_154, %lt3A_159 : vector<16xi32>
    %and3A_161 = arith.andi %ge3A_157, %lt3A_160 : vector<16xi1>
    %jit3A_162 = arith.constant 5120 : i32
    %broadcast_in_dim3A_163 = vector.broadcast %jit3A_162 : i32 to vector<16xi32>
    %select_n3A_164 = arith.select %and3A_161, %sub3A_154, %broadcast_in_dim3A_163 : vector<16xi1>, vector<16xi32>
    %swap3A_165 = arith.constant 64 : index
    %swap3A_166 = tpu.vector_load %arg8[%swap3A_165] {strides = array<i32>} : memref<128xi32, #tpu.memory_space<vmem>>, vector<16xi32>,
    %swap3A_167 = vector.shape_cast %swap3A_166 : vector<16xi32> to vector<16xi32>
    %swap3A_168 = vector.shape_cast %select_n3A_164 : vector<16xi32> to vector<16xi32>
    tpu.vector_store %arg8[%swap3A_165], %swap3A_168 {strides = array<i32>} : memref<128xi32, #tpu.memory_space<vmem>>, vector<16xi32>,
    %get3A_169 = arith.constant 64 : index
    %get3A_170 = tpu.vector_load %arg9[%get3A_169] {strides = array<i32>} : memref<128xi32, #tpu.memory_space<vmem>>, vector<16xi32>,
    %get3A_171 = vector.shape_cast %get3A_170 : vector<16xi32> to vector<16xi32>
    %sub3A_172 = vector.broadcast %mul3A_2 : i32 to vector<16xi32>
    %sub3A_173 = arith.subi %get3A_171, %sub3A_172 : vector<16xi32>
    %ge3A_174 = arith.constant 0 : i32
    %ge3A_175 = vector.broadcast %ge3A_174 : i32 to vector<16xi32>
    %ge3A_176 = arith.cmpi sge, %sub3A_173, %ge3A_175 : vector<16xi32>
    %lt3A_177 = arith.constant 5120 : i32
    %lt3A_178 = vector.broadcast %lt3A_177 : i32 to vector<16xi32>
    %lt3A_179 = arith.cmpi slt, %sub3A_173, %lt3A_178 : vector<16xi32>
    %and3A_180 = arith.andi %ge3A_176, %lt3A_179 : vector<16xi1>
    %jit3A_181 = arith.constant 5120 : i32
    %broadcast_in_dim3A_182 = vector.broadcast %jit3A_181 : i32 to vector<16xi32>
    %select_n3A_183 = arith.select %and3A_180, %sub3A_173, %broadcast_in_dim3A_182 : vector<16xi1>, vector<16xi32>
    %swap3A_184 = arith.constant 64 : index
    %swap3A_185 = tpu.vector_load %arg9[%swap3A_184] {strides = array<i32>} : memref<128xi32, #tpu.memory_space<vmem>>, vector<16xi32>,
    %swap3A_186 = vector.shape_cast %swap3A_185 : vector<16xi32> to vector<16xi32>
    %swap3A_187 = vector.shape_cast %select_n3A_183 : vector<16xi32> to vector<16xi32>
    tpu.vector_store %arg9[%swap3A_184], %swap3A_187 {strides = array<i32>} : memref<128xi32, #tpu.memory_space<vmem>>, vector<16xi32>,
    %get3A_188 = arith.constant 80 : index
    %get3A_189 = tpu.vector_load %arg8[%get3A_188] {strides = array<i32>} : memref<128xi32, #tpu.memory_space<vmem>>, vector<16xi32>,
    %get3A_190 = vector.shape_cast %get3A_189 : vector<16xi32> to vector<16xi32>
    %sub3A_191 = vector.broadcast %mul3A_2 : i32 to vector<16xi32>
    %sub3A_192 = arith.subi %get3A_190, %sub3A_191 : vector<16xi32>
    %ge3A_193 = arith.constant 0 : i32
    %ge3A_194 = vector.broadcast %ge3A_193 : i32 to vector<16xi32>
    %ge3A_195 = arith.cmpi sge, %sub3A_192, %ge3A_194 : vector<16xi32>
    %lt3A_196 = arith.constant 5120 : i32
    %lt3A_197 = vector.broadcast %lt3A_196 : i32 to vector<16xi32>
    %lt3A_198 = arith.cmpi slt, %sub3A_192, %lt3A_197 : vector<16xi32>
    %and3A_199 = arith.andi %ge3A_195, %lt3A_198 : vector<16xi1>
    %jit3A_200 = arith.constant 5120 : i32
    %broadcast_in_dim3A_201 = vector.broadcast %jit3A_200 : i32 to vector<16xi32>
    %select_n3A_202 = arith.select %and3A_199, %sub3A_192, %broadcast_in_dim3A_201 : vector<16xi1>, vector<16xi32>
    %swap3A_203 = arith.constant 80 : index
    %swap3A_204 = tpu.vector_load %arg8[%swap3A_203] {strides = array<i32>} : memref<128xi32, #tpu.memory_space<vmem>>, vector<16xi32>,
    %swap3A_205 = vector.shape_cast %swap3A_204 : vector<16xi32> to vector<16xi32>
    %swap3A_206 = vector.shape_cast %select_n3A_202 : vector<16xi32> to vector<16xi32>
    tpu.vector_store %arg8[%swap3A_203], %swap3A_206 {strides = array<i32>} : memref<128xi32, #tpu.memory_space<vmem>>, vector<16xi32>,
    %get3A_207 = arith.constant 80 : index
    %get3A_208 = tpu.vector_load %arg9[%get3A_207] {strides = array<i32>} : memref<128xi32, #tpu.memory_space<vmem>>, vector<16xi32>,
    %get3A_209 = vector.shape_cast %get3A_208 : vector<16xi32> to vector<16xi32>
    %sub3A_210 = vector.broadcast %mul3A_2 : i32 to vector<16xi32>
    %sub3A_211 = arith.subi %get3A_209, %sub3A_210 : vector<16xi32>
    %ge3A_212 = arith.constant 0 : i32
    %ge3A_213 = vector.broadcast %ge3A_212 : i32 to vector<16xi32>
    %ge3A_214 = arith.cmpi sge, %sub3A_211, %ge3A_213 : vector<16xi32>
    %lt3A_215 = arith.constant 5120 : i32
    %lt3A_216 = vector.broadcast %lt3A_215 : i32 to vector<16xi32>
    %lt3A_217 = arith.cmpi slt, %sub3A_211, %lt3A_216 : vector<16xi32>
    %and3A_218 = arith.andi %ge3A_214, %lt3A_217 : vector<16xi1>
    %jit3A_219 = arith.constant 5120 : i32
    %broadcast_in_dim3A_220 = vector.broadcast %jit3A_219 : i32 to vector<16xi32>
    %select_n3A_221 = arith.select %and3A_218, %sub3A_211, %broadcast_in_dim3A_220 : vector<16xi1>, vector<16xi32>
    %swap3A_222 = arith.constant 80 : index
    %swap3A_223 = tpu.vector_load %arg9[%swap3A_222] {strides = array<i32>} : memref<128xi32, #tpu.memory_space<vmem>>, vector<16xi32>,
    %swap3A_224 = vector.shape_cast %swap3A_223 : vector<16xi32> to vector<16xi32>
    %swap3A_225 = vector.shape_cast %select_n3A_221 : vector<16xi32> to vector<16xi32>
    tpu.vector_store %arg9[%swap3A_222], %swap3A_225 {strides = array<i32>} : memref<128xi32, #tpu.memory_space<vmem>>, vector<16xi32>,
    %get3A_226 = arith.constant 96 : index
    %get3A_227 = tpu.vector_load %arg8[%get3A_226] {strides = array<i32>} : memref<128xi32, #tpu.memory_space<vmem>>, vector<16xi32>,
    %get3A_228 = vector.shape_cast %get3A_227 : vector<16xi32> to vector<16xi32>
    %sub3A_229 = vector.broadcast %mul3A_2 : i32 to vector<16xi32>
    %sub3A_230 = arith.subi %get3A_228, %sub3A_229 : vector<16xi32>
    %ge3A_231 = arith.constant 0 : i32
    %ge3A_232 = vector.broadcast %ge3A_231 : i32 to vector<16xi32>
    %ge3A_233 = arith.cmpi sge, %sub3A_230, %ge3A_232 : vector<16xi32>
    %lt3A_234 = arith.constant 5120 : i32
    %lt3A_235 = vector.broadcast %lt3A_234 : i32 to vector<16xi32>
    %lt3A_236 = arith.cmpi slt, %sub3A_230, %lt3A_235 : vector<16xi32>
    %and3A_237 = arith.andi %ge3A_233, %lt3A_236 : vector<16xi1>
    %jit3A_238 = arith.constant 5120 : i32
    %broadcast_in_dim3A_239 = vector.broadcast %jit3A_238 : i32 to vector<16xi32>
    %select_n3A_240 = arith.select %and3A_237, %sub3A_230, %broadcast_in_dim3A_239 : vector<16xi1>, vector<16xi32>
    %swap3A_241 = arith.constant 96 : index
    %swap3A_242 = tpu.vector_load %arg8[%swap3A_241] {strides = array<i32>} : memref<128xi32, #tpu.memory_space<vmem>>, vector<16xi32>,
    %swap3A_243 = vector.shape_cast %swap3A_242 : vector<16xi32> to vector<16xi32>
    %swap3A_244 = vector.shape_cast %select_n3A_240 : vector<16xi32> to vector<16xi32>
    tpu.vector_store %arg8[%swap3A_241], %swap3A_244 {strides = array<i32>} : memref<128xi32, #tpu.memory_space<vmem>>, vector<16xi32>,
    %get3A_245 = arith.constant 96 : index
    %get3A_246 = tpu.vector_load %arg9[%get3A_245] {strides = array<i32>} : memref<128xi32, #tpu.memory_space<vmem>>, vector<16xi32>,
    %get3A_247 = vector.shape_cast %get3A_246 : vector<16xi32> to vector<16xi32>
    %sub3A_248 = vector.broadcast %mul3A_2 : i32 to vector<16xi32>
    %sub3A_249 = arith.subi %get3A_247, %sub3A_248 : vector<16xi32>
    %ge3A_250 = arith.constant 0 : i32
    %ge3A_251 = vector.broadcast %ge3A_250 : i32 to vector<16xi32>
    %ge3A_252 = arith.cmpi sge, %sub3A_249, %ge3A_251 : vector<16xi32>
    %lt3A_253 = arith.constant 5120 : i32
    %lt3A_254 = vector.broadcast %lt3A_253 : i32 to vector<16xi32>
    %lt3A_255 = arith.cmpi slt, %sub3A_249, %lt3A_254 : vector<16xi32>
    %and3A_256 = arith.andi %ge3A_252, %lt3A_255 : vector<16xi1>
    %jit3A_257 = arith.constant 5120 : i32
    %broadcast_in_dim3A_258 = vector.broadcast %jit3A_257 : i32 to vector<16xi32>
    %select_n3A_259 = arith.select %and3A_256, %sub3A_249, %broadcast_in_dim3A_258 : vector<16xi1>, vector<16xi32>
    %swap3A_260 = arith.constant 96 : index
    %swap3A_261 = tpu.vector_load %arg9[%swap3A_260] {strides = array<i32>} : memref<128xi32, #tpu.memory_space<vmem>>, vector<16xi32>,
    %swap3A_262 = vector.shape_cast %swap3A_261 : vector<16xi32> to vector<16xi32>
    %swap3A_263 = vector.shape_cast %select_n3A_259 : vector<16xi32> to vector<16xi32>
    tpu.vector_store %arg9[%swap3A_260], %swap3A_263 {strides = array<i32>} : memref<128xi32, #tpu.memory_space<vmem>>, vector<16xi32>,
    %get3A_264 = arith.constant 112 : index
    %get3A_265 = tpu.vector_load %arg8[%get3A_264] {strides = array<i32>} : memref<128xi32, #tpu.memory_space<vmem>>, vector<16xi32>,
    %get3A_266 = vector.shape_cast %get3A_265 : vector<16xi32> to vector<16xi32>
    %sub3A_267 = vector.broadcast %mul3A_2 : i32 to vector<16xi32>
    %sub3A_268 = arith.subi %get3A_266, %sub3A_267 : vector<16xi32>
    %ge3A_269 = arith.constant 0 : i32
    %ge3A_270 = vector.broadcast %ge3A_269 : i32 to vector<16xi32>
    %ge3A_271 = arith.cmpi sge, %sub3A_268, %ge3A_270 : vector<16xi32>
    %lt3A_272 = arith.constant 5120 : i32
    %lt3A_273 = vector.broadcast %lt3A_272 : i32 to vector<16xi32>
    %lt3A_274 = arith.cmpi slt, %sub3A_268, %lt3A_273 : vector<16xi32>
    %and3A_275 = arith.andi %ge3A_271, %lt3A_274 : vector<16xi1>
    %jit3A_276 = arith.constant 5120 : i32
    %broadcast_in_dim3A_277 = vector.broadcast %jit3A_276 : i32 to vector<16xi32>
    %select_n3A_278 = arith.select %and3A_275, %sub3A_268, %broadcast_in_dim3A_277 : vector<16xi1>, vector<16xi32>
    %swap3A_279 = arith.constant 112 : index
    %swap3A_280 = tpu.vector_load %arg8[%swap3A_279] {strides = array<i32>} : memref<128xi32, #tpu.memory_space<vmem>>, vector<16xi32>,
    %swap3A_281 = vector.shape_cast %swap3A_280 : vector<16xi32> to vector<16xi32>
    %swap3A_282 = vector.shape_cast %select_n3A_278 : vector<16xi32> to vector<16xi32>
    tpu.vector_store %arg8[%swap3A_279], %swap3A_282 {strides = array<i32>} : memref<128xi32, #tpu.memory_space<vmem>>, vector<16xi32>,
    %get3A_283 = arith.constant 112 : index
    %get3A_284 = tpu.vector_load %arg9[%get3A_283] {strides = array<i32>} : memref<128xi32, #tpu.memory_space<vmem>>, vector<16xi32>,
    %get3A_285 = vector.shape_cast %get3A_284 : vector<16xi32> to vector<16xi32>
    %sub3A_286 = vector.broadcast %mul3A_2 : i32 to vector<16xi32>
    %sub3A_287 = arith.subi %get3A_285, %sub3A_286 : vector<16xi32>
    %ge3A_288 = arith.constant 0 : i32
    %ge3A_289 = vector.broadcast %ge3A_288 : i32 to vector<16xi32>
    %ge3A_290 = arith.cmpi sge, %sub3A_287, %ge3A_289 : vector<16xi32>
    %lt3A_291 = arith.constant 5120 : i32
    %lt3A_292 = vector.broadcast %lt3A_291 : i32 to vector<16xi32>
    %lt3A_293 = arith.cmpi slt, %sub3A_287, %lt3A_292 : vector<16xi32>
    %and3A_294 = arith.andi %ge3A_290, %lt3A_293 : vector<16xi1>
    %jit3A_295 = arith.constant 5120 : i32
    %broadcast_in_dim3A_296 = vector.broadcast %jit3A_295 : i32 to vector<16xi32>
    %select_n3A_297 = arith.select %and3A_294, %sub3A_287, %broadcast_in_dim3A_296 : vector<16xi1>, vector<16xi32>
    %swap3A_298 = arith.constant 112 : index
    %swap3A_299 = tpu.vector_load %arg9[%swap3A_298] {strides = array<i32>} : memref<128xi32, #tpu.memory_space<vmem>>, vector<16xi32>,
    %swap3A_300 = vector.shape_cast %swap3A_299 : vector<16xi32> to vector<16xi32>
    %swap3A_301 = vector.shape_cast %select_n3A_297 : vector<16xi32> to vector<16xi32>
    tpu.vector_store %arg9[%swap3A_298], %swap3A_301 {strides = array<i32>} : memref<128xi32, #tpu.memory_space<vmem>>, vector<16xi32>,
    %barrier3A = arith.constant 0 : index
    tpu.barrier barrier_id(%barrier3A)
    "tpu.region"() ({
      %run_scoped3A = tpu.sem_alloc : memref<!tpu.dma_semaphore, #tpu.memory_space<semaphore_mem>>
      %dma_start3A = arith.constant 0 : i32
      %dma_start3A_309 = arith.constant 0 : i32
      %dma_start3A_310 = tpu.memref_slice %arg12[%dma_start3A, %dma_start3A_309] : memref<5248x128xf32, #tpu.memory_space<vmem_shared>> -> memref<5248x128xf32, #tpu.memory_space<vmem_shared>>
      tpu.enqueue_indirect_dma source(%arg10 : memref<128x128xf32, #tpu.memory_space<vmem>>) target(%dma_start3A_310 : memref<5248x128xf32, #tpu.memory_space<vmem_shared>>) offsets(%arg8 : memref<128xi32, #tpu.memory_space<vmem>>) semaphore(%run_scoped3A : memref<!tpu.dma_semaphore, #tpu.memory_space<semaphore_mem>>) {add = true}
      %dma_wait3A = arith.constant 0 : i32
      %dma_wait3A_311 = arith.constant 0 : i32
      %dma_wait3A_312 = tpu.memref_slice %arg12[%dma_wait3A, %dma_wait3A_311] : memref<5248x128xf32, #tpu.memory_space<vmem_shared>> -> memref<5248x128xf32, #tpu.memory_space<vmem_shared>>
      tpu.wait_indirect_dma semaphore(%run_scoped3A : memref<!tpu.dma_semaphore, #tpu.memory_space<semaphore_mem>>) src(%arg10 : memref<128x128xf32, #tpu.memory_space<vmem>>) dst(%dma_wait3A_312 : memref<5248x128xf32, #tpu.memory_space<vmem_shared>>)
      tpu.yield
    }) : () -> ()
    "tpu.region"() ({
      %run_scoped3A = tpu.sem_alloc : memref<!tpu.dma_semaphore, #tpu.memory_space<semaphore_mem>>
      %dma_start3A = arith.constant 0 : i32
      %dma_start3A_309 = arith.constant 0 : i32
      %dma_start3A_310 = tpu.memref_slice %arg12[%dma_start3A, %dma_start3A_309] : memref<5248x128xf32, #tpu.memory_space<vmem_shared>> -> memref<5248x128xf32, #tpu.memory_space<vmem_shared>>
      tpu.enqueue_indirect_dma source(%arg11 : memref<128x128xf32, #tpu.memory_space<vmem>>) target(%dma_start3A_310 : memref<5248x128xf32, #tpu.memory_space<vmem_shared>>) offsets(%arg9 : memref<128xi32, #tpu.memory_space<vmem>>) semaphore(%run_scoped3A : memref<!tpu.dma_semaphore, #tpu.memory_space<semaphore_mem>>) {add = true}
      %dma_wait3A = arith.constant 0 : i32
      %dma_wait3A_311 = arith.constant 0 : i32
      %dma_wait3A_312 = tpu.memref_slice %arg12[%dma_wait3A, %dma_wait3A_311] : memref<5248x128xf32, #tpu.memory_space<vmem_shared>> -> memref<5248x128xf32, #tpu.memory_space<vmem_shared>>
      tpu.wait_indirect_dma semaphore(%run_scoped3A : memref<!tpu.dma_semaphore, #tpu.memory_space<semaphore_mem>>) src(%arg11 : memref<128x128xf32, #tpu.memory_space<vmem>>) dst(%dma_wait3A_312 : memref<5248x128xf32, #tpu.memory_space<vmem_shared>>)
      tpu.yield
    }) : () -> ()
    %barrier3A_302 = arith.constant 0 : index
    tpu.barrier barrier_id(%barrier3A_302)
    %mul3A_303 = arith.constant 320 : i32
    %mul3A_304 = arith.muli %arg1, %mul3A_303 : i32
    %mul3A_305 = arith.constant 5120 : i32
    %mul3A_306 = arith.muli %arg0, %mul3A_305 : i32
    %mul3A_307 = arith.constant 320 : i32
    %mul3A_308 = arith.muli %arg1, %mul3A_307 : i32
    %add3A = arith.addi %mul3A_306, %mul3A_308 : i32
    "tpu.region"() ({
      %run_scoped3A = tpu.sem_alloc : memref<!tpu.dma_semaphore, #tpu.memory_space<semaphore_mem>>
      %dma_start3A = arith.constant 0 : i32
      %dma_start3A_309 = tpu.memref_slice %arg7[%add3A, %dma_start3A] : memref<10240x128xf32, #tpu.memory_space<hbm>> -> memref<320x128xf32, #tpu.memory_space<hbm>>
      %dma_start3A_310 = arith.constant 0 : i32
      %dma_start3A_311 = tpu.memref_slice %arg12[%mul3A_304, %dma_start3A_310] : memref<5248x128xf32, #tpu.memory_space<vmem_shared>> -> memref<320x128xf32, #tpu.memory_space<vmem_shared>>
      tpu.enqueue_dma source(%dma_start3A_311 : memref<320x128xf32, #tpu.memory_space<vmem_shared>>) target(%dma_start3A_309 : memref<320x128xf32, #tpu.memory_space<hbm>>) target_semaphore(%run_scoped3A : memref<!tpu.dma_semaphore, #tpu.memory_space<semaphore_mem>>)
      %dma_wait3A = arith.constant 0 : i32
      %dma_wait3A_312 = tpu.memref_slice %arg7[%add3A, %dma_wait3A] : memref<10240x128xf32, #tpu.memory_space<hbm>> -> memref<320x128xf32, #tpu.memory_space<hbm>>
      %dma_wait3A_313 = arith.constant 0 : i32
      %dma_wait3A_314 = tpu.memref_slice %arg12[%mul3A_304, %dma_wait3A_313] : memref<5248x128xf32, #tpu.memory_space<vmem_shared>> -> memref<320x128xf32, #tpu.memory_space<vmem_shared>>
      tpu.wait_dma2 semaphore(%run_scoped3A : memref<!tpu.dma_semaphore, #tpu.memory_space<semaphore_mem>>) src(%dma_wait3A_314 : memref<320x128xf32, #tpu.memory_space<vmem_shared>>) dst(%dma_wait3A_312 : memref<320x128xf32, #tpu.memory_space<hbm>>)
      tpu.yield
    }) : () -> ()
    return
  }
}

module attributes {stable_mosaic.version = 14 : i64} {
  func.func @_edge_body(%arg0: i32, %arg1: memref<1x8xf32, #tpu.memory_space<vmem>>, %arg2: memref<256x16xf32, #tpu.memory_space<vmem>>, %arg3: memref<256x128xf32, #tpu.memory_space<vmem>>, %arg4: memref<256x128xf32, #tpu.memory_space<vmem>>, %arg5: memref<280x2048xf32, #tpu.memory_space<vmem>>, %arg6: memref<1x2048xf32, #tpu.memory_space<vmem>>, %arg7: memref<2048x2048xf32, #tpu.memory_space<vmem>>, %arg8: memref<1x2048xf32, #tpu.memory_space<vmem>>, %arg9: memref<4232x128xf32, #tpu.memory_space<vmem>>, %arg10: memref<256x2048xf32, #tpu.memory_space<vmem>>, %arg11: memref<256x128xf32, #tpu.memory_space<vmem>>, %arg12: memref<256x128xf32, #tpu.memory_space<vmem>>) attributes {dimension_semantics = [#tpu.dimension_semantics<arbitrary>], iteration_bounds = array<i64: 8>, scalar_prefetch = 0 : i64, scratch_operands = 0 : i64, tpu.core_type = #tpu.core_type<tc>, window_params = [{pipeline_mode = #tpu.pipeline_mode<synchronous>, transform_indices = @transform_0, window_bounds = array<i64: 1, 8>}, {transform_indices = @transform_1, window_bounds = array<i64: 256, 16>}, {transform_indices = @transform_2, window_bounds = array<i64: 256, 128>}, {transform_indices = @transform_3, window_bounds = array<i64: 256, 128>}, {pipeline_mode = #tpu.pipeline_mode<synchronous>, transform_indices = @transform_4, window_bounds = array<i64: 280, 2048>}, {pipeline_mode = #tpu.pipeline_mode<synchronous>, transform_indices = @transform_5, window_bounds = array<i64: 1, 2048>}, {pipeline_mode = #tpu.pipeline_mode<synchronous>, transform_indices = @transform_6, window_bounds = array<i64: 2048, 2048>}, {pipeline_mode = #tpu.pipeline_mode<synchronous>, transform_indices = @transform_7, window_bounds = array<i64: 1, 2048>}, {pipeline_mode = #tpu.pipeline_mode<synchronous>, transform_indices = @transform_8, window_bounds = array<i64: 4232, 128>}, {transform_indices = @transform_9, window_bounds = array<i64: 256, 2048>}, {transform_indices = @transform_10, window_bounds = array<i64: 256, 128>}, {transform_indices = @transform_11, window_bounds = array<i64: 256, 128>}]} {
    %get3A = arith.constant 0 : index
    %get3A_0 = arith.constant 0 : index
    %get3A_1 = vector.load %arg1[%get3A, %get3A_0] : memref<1x8xf32, #tpu.memory_space<vmem>>, vector<1x8xf32>
    %get3A_2 = arith.constant 272 : index
    %get3A_3 = arith.constant 0 : index
    %get3A_4 = vector.load %arg5[%get3A_2, %get3A_3] : memref<280x2048xf32, #tpu.memory_space<vmem>>, vector<8x2048xf32>
    %dot_general3A = arith.constant dense<0.000000e+00> : vector<1x2048xf32>
    %dot_general3A_5 = tpu.matmul %get3A_1, %get3A_4, %dot_general3A {dimension_numbers = #tpu.dot_dimension_numbers<[1], [0], [0], [1], [0, 0, 1, 1], [], []>, transpose_lhs_hint = false} : vector<1x8xf32>, vector<8x2048xf32>, vector<1x2048xf32> -> vector<1x2048xf32>
    %get3A_6 = arith.constant 0 : index
    %get3A_7 = arith.constant 0 : index
    %get3A_8 = vector.load %arg6[%get3A_6, %get3A_7] : memref<1x2048xf32, #tpu.memory_space<vmem>>, vector<1x2048xf32>
    %add3A = arith.addf %dot_general3A_5, %get3A_8 : vector<1x2048xf32>
    %get3A_9 = arith.constant 0 : index
    %get3A_10 = arith.constant 0 : index
    %get3A_11 = vector.load %arg2[%get3A_9, %get3A_10] : memref<256x16xf32, #tpu.memory_space<vmem>>, vector<256x16xf32>
    %get3A_12 = arith.constant 0 : index
    %get3A_13 = arith.constant 0 : index
    %get3A_14 = vector.load %arg5[%get3A_12, %get3A_13] : memref<280x2048xf32, #tpu.memory_space<vmem>>, vector<16x2048xf32>
    %dot_general3A_15 = arith.constant dense<0.000000e+00> : vector<256x2048xf32>
    %dot_general3A_16 = tpu.matmul %get3A_11, %get3A_14, %dot_general3A_15 {dimension_numbers = #tpu.dot_dimension_numbers<[1], [0], [0], [1], [0, 0, 1, 1], [], []>, transpose_lhs_hint = false} : vector<256x16xf32>, vector<16x2048xf32>, vector<256x2048xf32> -> vector<256x2048xf32>
    %get3A_17 = arith.constant 0 : index
    %get3A_18 = arith.constant 0 : index
    %get3A_19 = vector.load %arg3[%get3A_17, %get3A_18] : memref<256x128xf32, #tpu.memory_space<vmem>>, vector<256x128xf32>
    %get3A_20 = arith.constant 16 : index
    %get3A_21 = arith.constant 0 : index
    %get3A_22 = vector.load %arg5[%get3A_20, %get3A_21] : memref<280x2048xf32, #tpu.memory_space<vmem>>, vector<128x2048xf32>
    %dot_general3A_23 = arith.constant dense<0.000000e+00> : vector<256x2048xf32>
    %dot_general3A_24 = tpu.matmul %get3A_19, %get3A_22, %dot_general3A_23 {dimension_numbers = #tpu.dot_dimension_numbers<[1], [0], [0], [1], [0, 0, 1, 1], [], []>, transpose_lhs_hint = false} : vector<256x128xf32>, vector<128x2048xf32>, vector<256x2048xf32> -> vector<256x2048xf32>
    %add3A_25 = arith.addf %dot_general3A_16, %dot_general3A_24 : vector<256x2048xf32>
    %get3A_26 = arith.constant 0 : index
    %get3A_27 = arith.constant 0 : index
    %get3A_28 = vector.load %arg4[%get3A_26, %get3A_27] : memref<256x128xf32, #tpu.memory_space<vmem>>, vector<256x128xf32>
    %get3A_29 = arith.constant 144 : index
    %get3A_30 = arith.constant 0 : index
    %get3A_31 = vector.load %arg5[%get3A_29, %get3A_30] : memref<280x2048xf32, #tpu.memory_space<vmem>>, vector<128x2048xf32>
    %dot_general3A_32 = arith.constant dense<0.000000e+00> : vector<256x2048xf32>
    %dot_general3A_33 = tpu.matmul %get3A_28, %get3A_31, %dot_general3A_32 {dimension_numbers = #tpu.dot_dimension_numbers<[1], [0], [0], [1], [0, 0, 1, 1], [], []>, transpose_lhs_hint = false} : vector<256x128xf32>, vector<128x2048xf32>, vector<256x2048xf32> -> vector<256x2048xf32>
    %add3A_34 = arith.addf %add3A_25, %dot_general3A_33 : vector<256x2048xf32>
    %add3A_35 = vector.broadcast %add3A : vector<1x2048xf32> to vector<256x2048xf32>
    %add3A_36 = arith.addf %add3A_34, %add3A_35 : vector<256x2048xf32>
    %max3A = arith.constant 0.000000e+00 : f32
    %max3A_37 = vector.broadcast %max3A : f32 to vector<256x2048xf32>
    %max3A_38 = arith.maximumf %add3A_36, %max3A_37 : vector<256x2048xf32>
    %get3A_39 = arith.constant 0 : index
    %get3A_40 = arith.constant 0 : index
    %get3A_41 = vector.load %arg7[%get3A_39, %get3A_40] : memref<2048x2048xf32, #tpu.memory_space<vmem>>, vector<2048x2048xf32>
    %dot_general3A_42 = arith.constant dense<0.000000e+00> : vector<256x2048xf32>
    %dot_general3A_43 = tpu.matmul %max3A_38, %get3A_41, %dot_general3A_42 {dimension_numbers = #tpu.dot_dimension_numbers<[1], [0], [0], [1], [0, 0, 1, 1], [], []>, transpose_lhs_hint = false} : vector<256x2048xf32>, vector<2048x2048xf32>, vector<256x2048xf32> -> vector<256x2048xf32>
    %get3A_44 = arith.constant 0 : index
    %get3A_45 = arith.constant 0 : index
    %get3A_46 = vector.load %arg8[%get3A_44, %get3A_45] : memref<1x2048xf32, #tpu.memory_space<vmem>>, vector<1x2048xf32>
    %add3A_47 = vector.broadcast %get3A_46 : vector<1x2048xf32> to vector<256x2048xf32>
    %add3A_48 = arith.addf %dot_general3A_43, %add3A_47 : vector<256x2048xf32>
    %max3A_49 = arith.constant 0.000000e+00 : f32
    %max3A_50 = vector.broadcast %max3A_49 : f32 to vector<256x2048xf32>
    %max3A_51 = arith.maximumf %add3A_48, %max3A_50 : vector<256x2048xf32>
    %swap3A = arith.constant 0 : index
    %swap3A_52 = arith.constant 0 : index
    %swap3A_53 = vector.load %arg10[%swap3A, %swap3A_52] : memref<256x2048xf32, #tpu.memory_space<vmem>>, vector<256x2048xf32>
    tpu.vector_store %arg10[%swap3A, %swap3A_52], %max3A_51 {strides = array<i32>} : memref<256x2048xf32, #tpu.memory_space<vmem>>, vector<256x2048xf32>,
    %get3A_54 = arith.constant 128 : index
    %get3A_55 = arith.constant 0 : index
    %get3A_56 = vector.load %arg9[%get3A_54, %get3A_55] : memref<4232x128xf32, #tpu.memory_space<vmem>>, vector<2048x128xf32>
    %dot_general3A_57 = arith.constant dense<0.000000e+00> : vector<256x128xf32>
    %dot_general3A_58 = tpu.matmul %max3A_51, %get3A_56, %dot_general3A_57 {dimension_numbers = #tpu.dot_dimension_numbers<[1], [0], [0], [1], [0, 0, 1, 1], [], []>, transpose_lhs_hint = false} : vector<256x2048xf32>, vector<2048x128xf32>, vector<256x128xf32> -> vector<256x128xf32>
    %swap3A_59 = arith.constant 0 : index
    %swap3A_60 = arith.constant 0 : index
    %swap3A_61 = vector.load %arg11[%swap3A_59, %swap3A_60] : memref<256x128xf32, #tpu.memory_space<vmem>>, vector<256x128xf32>
    tpu.vector_store %arg11[%swap3A_59, %swap3A_60], %dot_general3A_58 {strides = array<i32>} : memref<256x128xf32, #tpu.memory_space<vmem>>, vector<256x128xf32>,
    %get3A_62 = arith.constant 2176 : index
    %get3A_63 = arith.constant 0 : index
    %get3A_64 = vector.load %arg9[%get3A_62, %get3A_63] : memref<4232x128xf32, #tpu.memory_space<vmem>>, vector<2048x128xf32>
    %dot_general3A_65 = arith.constant dense<0.000000e+00> : vector<256x128xf32>
    %dot_general3A_66 = tpu.matmul %max3A_51, %get3A_64, %dot_general3A_65 {dimension_numbers = #tpu.dot_dimension_numbers<[1], [0], [0], [1], [0, 0, 1, 1], [], []>, transpose_lhs_hint = false} : vector<256x2048xf32>, vector<2048x128xf32>, vector<256x128xf32> -> vector<256x128xf32>
    %swap3A_67 = arith.constant 0 : index
    %swap3A_68 = arith.constant 0 : index
    %swap3A_69 = vector.load %arg12[%swap3A_67, %swap3A_68] : memref<256x128xf32, #tpu.memory_space<vmem>>, vector<256x128xf32>
    tpu.vector_store %arg12[%swap3A_67, %swap3A_68], %dot_general3A_66 {strides = array<i32>} : memref<256x128xf32, #tpu.memory_space<vmem>>, vector<256x128xf32>,
    return
  }
  func.func @transform_0(%arg0: i32) -> (i32, i32) {
    %c0_i32 = arith.constant 0 : i32
    %c0_i32_0 = arith.constant 0 : i32
    %c0_i32_1 = arith.constant 0 : i32
    return %c0_i32, %c0_i32_0 : i32, i32
  }
  func.func @transform_1(%arg0: i32) -> (i32, i32) {
    %c0_i32 = arith.constant 0 : i32
    %c0_i32_0 = arith.constant 0 : i32
    return %arg0, %c0_i32 : i32, i32
  }
  func.func @transform_2(%arg0: i32) -> (i32, i32) {
    %c0_i32 = arith.constant 0 : i32
    %c0_i32_0 = arith.constant 0 : i32
    return %arg0, %c0_i32 : i32, i32
  }
  func.func @transform_3(%arg0: i32) -> (i32, i32) {
    %c0_i32 = arith.constant 0 : i32
    %c0_i32_0 = arith.constant 0 : i32
    return %arg0, %c0_i32 : i32, i32
  }
  func.func @transform_4(%arg0: i32) -> (i32, i32) {
    %c0_i32 = arith.constant 0 : i32
    %c0_i32_0 = arith.constant 0 : i32
    %c0_i32_1 = arith.constant 0 : i32
    return %c0_i32, %c0_i32_0 : i32, i32
  }
  func.func @transform_5(%arg0: i32) -> (i32, i32) {
    %c0_i32 = arith.constant 0 : i32
    %c0_i32_0 = arith.constant 0 : i32
    %c0_i32_1 = arith.constant 0 : i32
    return %c0_i32, %c0_i32_0 : i32, i32
  }
  func.func @transform_6(%arg0: i32) -> (i32, i32) {
    %c0_i32 = arith.constant 0 : i32
    %c0_i32_0 = arith.constant 0 : i32
    %c0_i32_1 = arith.constant 0 : i32
    return %c0_i32, %c0_i32_0 : i32, i32
  }
  func.func @transform_7(%arg0: i32) -> (i32, i32) {
    %c0_i32 = arith.constant 0 : i32
    %c0_i32_0 = arith.constant 0 : i32
    %c0_i32_1 = arith.constant 0 : i32
    return %c0_i32, %c0_i32_0 : i32, i32
  }
  func.func @transform_8(%arg0: i32) -> (i32, i32) {
    %c0_i32 = arith.constant 0 : i32
    %c0_i32_0 = arith.constant 0 : i32
    %c0_i32_1 = arith.constant 0 : i32
    return %c0_i32, %c0_i32_0 : i32, i32
  }
  func.func @transform_9(%arg0: i32) -> (i32, i32) {
    %c0_i32 = arith.constant 0 : i32
    %c0_i32_0 = arith.constant 0 : i32
    return %arg0, %c0_i32 : i32, i32
  }
  func.func @transform_10(%arg0: i32) -> (i32, i32) {
    %c0_i32 = arith.constant 0 : i32
    %c0_i32_0 = arith.constant 0 : i32
    return %arg0, %c0_i32 : i32, i32
  }
  func.func @transform_11(%arg0: i32) -> (i32, i32) {
    %c0_i32 = arith.constant 0 : i32
    %c0_i32_0 = arith.constant 0 : i32
    return %arg0, %c0_i32 : i32, i32
  }
}

module attributes {stable_mosaic.version = 14 : i64} {
  func.func @_node_body(%arg0: i32, %arg1: memref<1x8xf32, #tpu.memory_space<vmem>>, %arg2: memref<1000x128xf32, #tpu.memory_space<vmem>>, %arg3: memref<1000x128xf32, #tpu.memory_space<vmem>>, %arg4: memref<128x128xf32, #tpu.memory_space<vmem>>, %arg5: memref<8x128xf32, #tpu.memory_space<vmem>>, %arg6: memref<1x128xf32, #tpu.memory_space<vmem>>, %arg7: memref<128x128xf32, #tpu.memory_space<vmem>>, %arg8: memref<1x128xf32, #tpu.memory_space<vmem>>, %arg9: memref<1000x128xf32, #tpu.memory_space<vmem>>) attributes {dimension_semantics = [#tpu.dimension_semantics<arbitrary>], iteration_bounds = array<i64: 10>, scalar_prefetch = 0 : i64, scratch_operands = 0 : i64, tpu.core_type = #tpu.core_type<tc>, window_params = [{pipeline_mode = #tpu.pipeline_mode<synchronous>, transform_indices = @transform_0, window_bounds = array<i64: 1, 8>}, {transform_indices = @transform_1, window_bounds = array<i64: 1000, 128>}, {transform_indices = @transform_2, window_bounds = array<i64: 1000, 128>}, {pipeline_mode = #tpu.pipeline_mode<synchronous>, transform_indices = @transform_3, window_bounds = array<i64: 128, 128>}, {pipeline_mode = #tpu.pipeline_mode<synchronous>, transform_indices = @transform_4, window_bounds = array<i64: 8, 128>}, {pipeline_mode = #tpu.pipeline_mode<synchronous>, transform_indices = @transform_5, window_bounds = array<i64: 1, 128>}, {pipeline_mode = #tpu.pipeline_mode<synchronous>, transform_indices = @transform_6, window_bounds = array<i64: 128, 128>}, {pipeline_mode = #tpu.pipeline_mode<synchronous>, transform_indices = @transform_7, window_bounds = array<i64: 1, 128>}, {transform_indices = @transform_8, window_bounds = array<i64: 1000, 128>}]} {
    %get3A = arith.constant 0 : index
    %get3A_0 = arith.constant 0 : index
    %get3A_1 = vector.load %arg1[%get3A, %get3A_0] : memref<1x8xf32, #tpu.memory_space<vmem>>, vector<1x8xf32>
    %get3A_2 = arith.constant 0 : index
    %get3A_3 = arith.constant 0 : index
    %get3A_4 = vector.load %arg5[%get3A_2, %get3A_3] : memref<8x128xf32, #tpu.memory_space<vmem>>, vector<8x128xf32>
    %dot_general3A = arith.constant dense<0.000000e+00> : vector<1x128xf32>
    %dot_general3A_5 = tpu.matmul %get3A_1, %get3A_4, %dot_general3A {dimension_numbers = #tpu.dot_dimension_numbers<[1], [0], [0], [1], [0, 0, 1, 1], [], []>, transpose_lhs_hint = false} : vector<1x8xf32>, vector<8x128xf32>, vector<1x128xf32> -> vector<1x128xf32>
    %get3A_6 = arith.constant 0 : index
    %get3A_7 = arith.constant 0 : index
    %get3A_8 = vector.load %arg6[%get3A_6, %get3A_7] : memref<1x128xf32, #tpu.memory_space<vmem>>, vector<1x128xf32>
    %add3A = arith.addf %dot_general3A_5, %get3A_8 : vector<1x128xf32>
    %get3A_9 = arith.constant 0 : index
    %get3A_10 = arith.constant 0 : index
    %get3A_11 = vector.load %arg2[%get3A_9, %get3A_10] : memref<1000x128xf32, #tpu.memory_space<vmem>>, vector<1000x128xf32>
    %get3A_12 = arith.constant 0 : index
    %get3A_13 = arith.constant 0 : index
    %get3A_14 = vector.load %arg4[%get3A_12, %get3A_13] : memref<128x128xf32, #tpu.memory_space<vmem>>, vector<128x128xf32>
    %dot_general3A_15 = arith.constant dense<0.000000e+00> : vector<1000x128xf32>
    %dot_general3A_16 = tpu.matmul %get3A_11, %get3A_14, %dot_general3A_15 {dimension_numbers = #tpu.dot_dimension_numbers<[1], [0], [0], [1], [0, 0, 1, 1], [], []>, transpose_lhs_hint = false} : vector<1000x128xf32>, vector<128x128xf32>, vector<1000x128xf32> -> vector<1000x128xf32>
    %get3A_17 = arith.constant 0 : index
    %get3A_18 = arith.constant 0 : index
    %get3A_19 = vector.load %arg3[%get3A_17, %get3A_18] : memref<1000x128xf32, #tpu.memory_space<vmem>>, vector<1000x128xf32>
    %add3A_20 = arith.addf %dot_general3A_16, %get3A_19 : vector<1000x128xf32>
    %add3A_21 = vector.broadcast %add3A : vector<1x128xf32> to vector<1000x128xf32>
    %add3A_22 = arith.addf %add3A_20, %add3A_21 : vector<1000x128xf32>
    %max3A = arith.constant 0.000000e+00 : f32
    %max3A_23 = vector.broadcast %max3A : f32 to vector<1000x128xf32>
    %max3A_24 = arith.maximumf %add3A_22, %max3A_23 : vector<1000x128xf32>
    %get3A_25 = arith.constant 0 : index
    %get3A_26 = arith.constant 0 : index
    %get3A_27 = vector.load %arg7[%get3A_25, %get3A_26] : memref<128x128xf32, #tpu.memory_space<vmem>>, vector<128x128xf32>
    %dot_general3A_28 = arith.constant dense<0.000000e+00> : vector<1000x128xf32>
    %dot_general3A_29 = tpu.matmul %max3A_24, %get3A_27, %dot_general3A_28 {dimension_numbers = #tpu.dot_dimension_numbers<[1], [0], [0], [1], [0, 0, 1, 1], [], []>, transpose_lhs_hint = false} : vector<1000x128xf32>, vector<128x128xf32>, vector<1000x128xf32> -> vector<1000x128xf32>
    %get3A_30 = arith.constant 0 : index
    %get3A_31 = arith.constant 0 : index
    %get3A_32 = vector.load %arg8[%get3A_30, %get3A_31] : memref<1x128xf32, #tpu.memory_space<vmem>>, vector<1x128xf32>
    %add3A_33 = vector.broadcast %get3A_32 : vector<1x128xf32> to vector<1000x128xf32>
    %add3A_34 = arith.addf %dot_general3A_29, %add3A_33 : vector<1000x128xf32>
    %max3A_35 = arith.constant 0.000000e+00 : f32
    %max3A_36 = vector.broadcast %max3A_35 : f32 to vector<1000x128xf32>
    %max3A_37 = arith.maximumf %add3A_34, %max3A_36 : vector<1000x128xf32>
    %swap3A = arith.constant 0 : index
    %swap3A_38 = arith.constant 0 : index
    %swap3A_39 = vector.load %arg9[%swap3A, %swap3A_38] : memref<1000x128xf32, #tpu.memory_space<vmem>>, vector<1000x128xf32>
    tpu.vector_store %arg9[%swap3A, %swap3A_38], %max3A_37 {strides = array<i32>} : memref<1000x128xf32, #tpu.memory_space<vmem>>, vector<1000x128xf32>,
    return
  }
  func.func @transform_0(%arg0: i32) -> (i32, i32) {
    %c0_i32 = arith.constant 0 : i32
    %c0_i32_0 = arith.constant 0 : i32
    %c0_i32_1 = arith.constant 0 : i32
    return %c0_i32, %c0_i32_0 : i32, i32
  }
  func.func @transform_1(%arg0: i32) -> (i32, i32) {
    %c0_i32 = arith.constant 0 : i32
    %c0_i32_0 = arith.constant 0 : i32
    return %arg0, %c0_i32 : i32, i32
  }
  func.func @transform_2(%arg0: i32) -> (i32, i32) {
    %c0_i32 = arith.constant 0 : i32
    %c0_i32_0 = arith.constant 0 : i32
    return %arg0, %c0_i32 : i32, i32
  }
  func.func @transform_3(%arg0: i32) -> (i32, i32) {
    %c0_i32 = arith.constant 0 : i32
    %c0_i32_0 = arith.constant 0 : i32
    %c0_i32_1 = arith.constant 0 : i32
    return %c0_i32, %c0_i32_0 : i32, i32
  }
  func.func @transform_4(%arg0: i32) -> (i32, i32) {
    %c0_i32 = arith.constant 0 : i32
    %c0_i32_0 = arith.constant 0 : i32
    %c0_i32_1 = arith.constant 0 : i32
    return %c0_i32, %c0_i32_0 : i32, i32
  }
  func.func @transform_5(%arg0: i32) -> (i32, i32) {
    %c0_i32 = arith.constant 0 : i32
    %c0_i32_0 = arith.constant 0 : i32
    %c0_i32_1 = arith.constant 0 : i32
    return %c0_i32, %c0_i32_0 : i32, i32
  }
  func.func @transform_6(%arg0: i32) -> (i32, i32) {
    %c0_i32 = arith.constant 0 : i32
    %c0_i32_0 = arith.constant 0 : i32
    %c0_i32_1 = arith.constant 0 : i32
    return %c0_i32, %c0_i32_0 : i32, i32
  }
  func.func @transform_7(%arg0: i32) -> (i32, i32) {
    %c0_i32 = arith.constant 0 : i32
    %c0_i32_0 = arith.constant 0 : i32
    %c0_i32_1 = arith.constant 0 : i32
    return %c0_i32, %c0_i32_0 : i32, i32
  }
  func.func @transform_8(%arg0: i32) -> (i32, i32) {
    %c0_i32 = arith.constant 0 : i32
    %c0_i32_0 = arith.constant 0 : i32
    return %arg0, %c0_i32 : i32, i32
  }
}

</mosaic_0001>

<sc_bundles>
// kernel: kernel.6.cloned.1.call-start
scs
__scs_entry_jumppad:
0x0: {  	(pc) =	sbr.rel $0x88, $3  }
0x1: {  	(tag) =	ssettag $0x0;
	lr =	simm.s32 $0x1  }
0x2: {  	[smem:$0x3F92] =	sst lr;
	_ =	strace $0xD0000000  }
0x3: {  	_ = 	snop  }
0x4: {  	_ = 	snop  }
0x5: {  	_ = 	snop  }
0x6: {  	_ = 	snop  }
0x7: {  	_ = 	snop  }
__scs_overlays_trampoline_lowered:
0x8: {  	[smem:$0x3FA1] =	sst s0  }
0x9: {  	[smem:$0x3FA2] =	sst s1  }
0xa: {  	[smem:$0x3FA3] =	sst s2  }
0xb: {  	[smem:$0x3FA4] =	sst s3  }
0xc: {  	[smem:$0x3FA5] =	sst s4  }
0xd: {  	[smem:$0x3FA6] =	sst s5  }
0xe: {  	[smem:$0x3FA7] =	sst s6  }
0xf: {  	[smem:$0x3FA8] =	sst s7  }
0x10: {  	[smem:$0x3FA9] =	sst s8  }
0x11: {  	[smem:$0x3FAA] =	sst s9;
	s0 =	simm.s32 @!p0 $0x0  }
0x12: {  	s1 =	sld [smem:$0x3F90];
	s0 =	simm.s32 @p0 $0x1  }
0x13: {  	[smem:$0x3FAB] =	sst s0;
	s0 =	simm.s32 @!p1 $0x0  }
0x14: {  	s2 =	sld [smem:$0x3F8F];
	s0 =	simm.s32 @p1 $0x1  }
0x15: {  	[smem:$0x3FAC] =	sst s0;
	s0 =	simm.s32 @!p2 $0x0  }
0x16: {  	s3 =	sld [smem:$0x3FDB];
	s0 =	simm.s32 @p2 $0x1  }
0x17: {  	s4 =	simm.s32 $0x1BF5;
	[smem:$0x3FAE] =	sst s0  }
0x18: {  	s0 =	sld [smem:$0x3F91];
	_ =	swait.ge [sflag:s4], $0x0  }
0x19: {  	s7 =	sld [smem:$0x3F92]  }
0x1a: {  	s8 =	sadd.s32 $0xFFFFE003, lr  }
0x1b: {  	s9 =	sadd.s32 $0xFFFFFEF7, lr;
	s5 =	simm.s32 $0xFFFFFFFF;
	p2 =	slt.u32 s8, $0xFFFFF086  }
0x1c: {  	p1 =	slt.u32 s9, $0xF7A;
	s5 =	simm.s32 @!p2 $0x0  }
0x1d: {  	s5 =	simm.s32 @p1 $0x1;
	p0 =	seq.s32 s7, s2  }
0x1e: {  	s7 =	smul.u32 @!p0 $0xF7A, s2;
	p2 =	seq.s32 @!p0 s5, $0x0  }
0x1f: {  	s9 =	smul.u32 $0xF7A, s1;
	s8 =	simm.s32 @!p0 $0x1BF5;
	p2 =	por !p2, p0  }
0x20: {  	[sflag:s8] =	ssyncset.s32 @!p0 $0xFFFFF086;
	s6 =	sadd.s32 @!p0 s3, s7;
	s7 =	simm.s32 @!p0 $0x108  }
0x21: {  	s3 =	sadd.s32 s3, s9;
	s6 =	sadd.s32 @!p0 $0x88, s6;
	s7 =	simm.s32 @p2 $0x1082  }
0x22: {  	[simem:s7], [sflag:s8] =	dma.local @!p0 [hbm:s6], $0xF7A  }
0x23: {  	s9 =	sor.u32 $0xD0000000, s2;
	s6 =	simm.s32 $0x108;
	_ =	swait.ge @!p0 [sflag:s8], $0x0  }
0x24: {  	s3 =	sadd.s32 $0x88, s3;
	s6 =	simm.s32 @!p1 $0x1082;
	[sflag:s4] =	ssyncset.s32 $0xFFFFF086  }
0x25: {  	[simem:s6], [sflag:s4] =	dma.local [hbm:s3], $0xF7A  }
0x26: {  	[smem:$0x3F92] =	sst s1;
	(tag) =	ssettag s2;
	_ =	strace s9  }
0x27: {  	s1 =	sld [smem:$0x3FA2]  }
0x28: {  	s2 =	sld [smem:$0x3FA3]  }
0x29: {  	s4 =	sld [smem:$0x3FA5]  }
0x2a: {  	p0 =	seq.s32 s5, $0x0;
	s5 =	sld [smem:$0x3FA6]  }
0x2b: {  	s6 =	sld [smem:$0x3FA7]  }
0x2c: {  	s7 =	sld [smem:$0x3FA8]  }
0x2d: {  	s3 =	simm.s32 $0x108;
	s8 =	sld [smem:$0x3FA9]  }
0x2e: {  	s3 =	simm.s32 @!p0 $0x1082;
	s9 =	sld [smem:$0x3FAA]  }
0x2f: {  	lr =	sadd.s32 s0, s3;
	s0 =	sld [smem:$0x3FA1]  }
0x30: {  	s3 =	sld [smem:$0x3FA4]  }
0x31: {  	[smem:$0x3FAD] =	sst s10  }
0x32: {  	s10 =	sld [smem:$0x3FAB];
	_ =	sdelay $0x3  }
0x33: {  	p0 =	seq.s32 s10, $0x1;
	s10 =	sld [smem:$0x3FAD];
	_ =	sdelay $0x3  }
0x34: {  	[smem:$0x3FAD] =	sst s10  }
0x35: {  	s10 =	sld [smem:$0x3FAC];
	_ =	sdelay $0x3  }
0x36: {  	p1 =	seq.s32 s10, $0x1;
	s10 =	sld [smem:$0x3FAD];
	_ =	sdelay $0x3  }
0x37: {  	[smem:$0x3FAD] =	sst s10  }
0x38: {  	s10 =	sld [smem:$0x3FAE]  }
0x39: {  	_ = 	snop;
	(pc) =	sbr.ind lr, $3  }
0x3a: {  	_ = 	snop  }
0x3b: {  	_ = 	snop  }
0x3c: {  	p2 =	seq.s32 s10, $0x1;
	s10 =	sld [smem:$0x3FAD]  }
0x3d: {  	_ =	shalt  }
0x3e: {  	_ =	shalt  }
0x3f: {  	_ =	shalt  }
0x40: {  	_ =	shalt  }
0x41: {  	_ =	shalt  }
0x42: {  	_ =	shalt  }
0x43: {  	_ =	shalt  }
0x44: {  	_ =	shalt  }
0x45: {  	_ =	shalt  }
0x46: {  	_ =	shalt  }
0x47: {  	_ =	shalt  }
0x48: {  	_ =	shalt  }
0x49: {  	_ =	shalt  }
0x4a: {  	_ =	shalt  }
0x4b: {  	_ =	shalt  }
0x4c: {  	_ =	shalt  }
0x4d: {  	_ =	shalt  }
0x4e: {  	_ =	shalt  }
0x4f: {  	_ =	shalt  }
0x50: {  	_ =	shalt  }
0x51: {  	_ =	shalt  }
0x52: {  	_ =	shalt  }
0x53: {  	_ =	shalt  }
0x54: {  	_ =	shalt  }
0x55: {  	_ =	shalt  }
0x56: {  	_ =	shalt  }
0x57: {  	_ =	shalt  }
0x58: {  	_ =	shalt  }
0x59: {  	_ =	shalt  }
0x5a: {  	_ =	shalt  }
0x5b: {  	_ =	shalt  }
0x5c: {  	_ =	shalt  }
0x5d: {  	_ =	shalt  }
0x5e: {  	_ =	shalt  }
0x5f: {  	_ =	shalt  }
0x60: {  	_ =	shalt  }
0x61: {  	_ =	shalt  }
0x62: {  	_ =	shalt  }
0x63: {  	_ =	shalt  }
0x64: {  	_ =	shalt  }
0x65: {  	_ =	shalt  }
0x66: {  	_ =	shalt  }
0x67: {  	_ =	shalt  }
0x68: {  	_ =	shalt  }
0x69: {  	_ =	shalt  }
0x6a: {  	_ =	shalt  }
0x6b: {  	_ =	shalt  }
0x6c: {  	_ =	shalt  }
0x6d: {  	_ =	shalt  }
0x6e: {  	_ =	shalt  }
0x6f: {  	_ =	shalt  }
0x70: {  	_ =	shalt  }
0x71: {  	_ =	shalt  }
0x72: {  	_ =	shalt  }
0x73: {  	_ =	shalt  }
0x74: {  	_ =	shalt  }
0x75: {  	_ =	shalt  }
0x76: {  	_ =	shalt  }
0x77: {  	_ =	shalt  }
0x78: {  	_ =	shalt  }
0x79: {  	_ =	shalt  }
0x7a: {  	_ =	shalt  }
0x7b: {  	_ =	shalt  }
0x7c: {  	_ =	shalt  }
0x7d: {  	_ =	shalt  }
0x7e: {  	_ =	shalt  }
0x7f: {  	_ =	shalt  }
0x80: {  	_ =	shalt  }
0x81: {  	_ =	shalt  }
0x82: {  	_ =	shalt  }
0x83: {  	_ =	shalt  }
0x84: {  	_ =	shalt  }
0x85: {  	_ =	shalt  }
0x86: {  	_ =	shalt  }
0x87: {  	_ =	shalt  }
.Lfunc_end0:
.L_simem_size_0:
called_computation_lowered:
.L_overlay_start_0:
0x88: {  	s2 =	sld [smem:$0x3FD9]  }
0x89: {  	s3 =	sld [smem:$0x3FFE];
	_ =	sdelay $0x1  }
0x8a: {  	s1 =	srdreg.scid  }
0x8b: {  	s0 =	sand.u32 $0x1, s1  }
0x8c: {  	s15 =	sshll.u32 s0, $0xA;
	s2 =	sadd.s32 s3, s2  }
0x8d: {  	s2 =	sadd.s32 s2, s15  }
0x8e: {  	[smem:$0x3FB9] =	sst s2  }
0x8f: {  	_ = 	snop  }
0x90: {  	s2 =	sld [smem:$0x3FD0]  }
0x91: {  	s16 =	sld [smem:$0x3FC9]  }
0x92: {  	s4 =	sld [smem:$0x3FC7]  }
0x93: {  	s6 =	simm.s32 $0xA;
	s7 =	simm.s32 $0x10;
	s5 =	sld [smem:$0x3FC6]  }
0x94: {  	[smem:s7], [sflag:s6] =	dma.local [hbm:s2], $0x1  }
0x95: {  	_ =	swait.eq [sflag:s6], $0x1  }
0x96: {  	[sflag:s6] =	ssyncset.done $0x0  }
0x97: {  	s17 =	sld [smem:$0x10];
	[sflag:s6] =	ssyncadd.s32 $0xFFFFFFFF  }
0x98: {  	s18 =	sld [smem:$0x11];
	(tm) =	ssettm $0x1  }
0x99: {  	s19 =	sld [smem:$0x3FFB];
	_ =	sdelay $0x3  }
0x9a: {  	_ =	strace s19  }
0x9b: {  	s7 =	sld [smem:$0x3FFC];
	_ =	sdelay $0x3  }
0x9c: {  	_ =	strace s7  }
0x9d: {  	s7 =	sld [smem:$0x3FFD];
	_ =	sdelay $0x3  }
0x9e: {  	_ =	strace s7  }
0x9f: {  	_ =	strace $0x8FFFFFFF  }
0xa0: {  	s20 =	sld [smem:$0x3FDB];
	_ =	sdelay $0x1  }
0xa1: {  	s8 =	simm.s32 $_scs_section_size  }
0xa2: {  	s9 =	simm.s32 $_size__tile_overlayer_lowered;
	s10 =	simm.s32 $_tile_overlayer_lowered  }
0xa3: {  	s23 =	simm.s32 $0x1BFF;
	s22 =	sshll.u32 s10, $0x1;
	s7 =	sadd.s32 s8, s20  }
0xa4: {  	s11 =	simm.s32 $0x0;
	s21 =	sshll.u32 s9, $0x1;
	s9 =	sadd.s32 s22, s7  }
0xa5: {  	[timem:s11], [sflag:s23] =	dma.local [hbm:s9], s21  }
0xa6: {  	_ =	swait.ge [sflag:s23], s21  }
0xa7: {  	s8 =	ssub.s32 $0x0, s21;
	[sflag:s23] =	ssyncset.done $0x0  }
0xa8: {  	[sflag:s23] =	ssyncadd.s32 s8;
	_ =	sdelay $0x1  }
0xa9: {  	s24 =	simm.s32 $0x1B8B  }
0xaa: {  	_ =	swait.ge [sflag:s24], $0x1  }
0xab: {  	[sflag:s24] =	ssyncset.done $0x0  }
0xac: {  	s25 =	simm.s32 $0x1B8E;
	[sflag:s24] =	ssyncadd.s32 $0xFFFFFFFF  }
0xad: {  	s26 =	simm.s32 $execute0_lowered;
	[smem:$0x3FD2] =	sst s25  }
0xae: {  	s8 =	sshll.u32 s26, $0x1;
	_ =	strace $0x80000046;
	[dreg:$0x1] =	wrdreg $0xFFFFFFFF  }
0xaf: {  	s28 =	simm.s32 $_size_execute0_lowered;
	s7 =	sadd.s32 s7, s8;
	[dreg:$0x0] =	wrdreg $0x0  }
0xb0: {  	s8 =	sshll.u32 s28, $0x1;
	[dreg:$0x2] =	wrdreg s7  }
0xb1: {  	[dreg:$0x3] =	wrdreg s8  }
0xb2: {  	[dreg:$0x4] =	wrdreg $0xC0  }
0xb3: {  	_ =	task [dreg:s11], $0x5FFFF  }
0xb4: {  	[dreg:$0x1] =	wrdreg $0xFFFFFFFF  }
0xb5: {  	[dreg:$0x0] =	wrdreg $0x60  }
0xb6: {  	[dreg:$0x2] =	wrdreg s16  }
0xb7: {  	[dreg:$0x3] =	wrdreg s5  }
0xb8: {  	[dreg:$0x4] =	wrdreg s4  }
0xb9: {  	[dreg:$0x5] =	wrdreg s17  }
0xba: {  	[dreg:$0x6] =	wrdreg s18  }
0xbb: {  	[dreg:$0x7] =	wrdreg $0x9  }
0xbc: {  	_ =	task.clear_ibuf [dreg:s11], $0x8FFFF;
	_ =	strace $0x90000046  }
0xbd: {  	s29 =	simm.s32 $0x9;
	_ =	strace $0x80000048  }
0xbe: {  	_ =	swait.ge [sflag:s29], $0x1  }
0xbf: {  	[sflag:s29] =	ssyncadd.s32 $0xFFFFFFFF  }
0xc0: {  	_ =	strace $0x90000048  }
0xc1: {  	_ =	sfence  }
0xc2: {  	s30 =	sld [smem:$0x0];
	_ =	sdelay $0x2  }
0xc3: {  	s31 =	sshll.u32 s1, $0xD;
	s1 =	sshrl.u32 s1, $0x2  }
0xc4: {  	s3 =	sand.u32 $0x4000, s31;
	s1 =	sadd.s32 s1, s30  }
0xc5: {  	s0 =	sor.u32 s3, s0;
	s1 =	sshll.u32 s1, $0x11  }
0xc6: {  	s0 =	sor.u32 s1, s0  }
0xc7: {  	s0 =	sadd.s32 $0x8F2B, s0  }
0xc8: {  	[sflag:s0] =	ssyncadd.remote.s32 $0x1  }
0xc9: {  	_ =	sfence.sel $0xFFFF  }
0xca: {  	[dreg:$0x0] =	wrdreg $0xFFFFFFFF;
	(pc) =	sbr.abs _section_cstart, $3  }
0xcb: {  	[dreg:$0x1] =	wrdreg $0xFFFFFFFF  }
0xcc: {  	_ =	task.clear_ibuf [dreg:s11], $0x2FFFF;
	_ =	strace $0x9FFFFFFF  }
0xcd: {  	(tm) =	ssettm $0x7FFFFFFF  }
tec
execute0_lowered:
.L_overlay_start_1:
0x0: {  	(tag) =	ssettag $0x1  }
0x1: {  	s1 =	rddreg [dreg:$0x0]  }
0x2: {  	s4 =	rddreg [dreg:$0x1]  }
0x3: {  	s6 =	rddreg [dreg:$0x2];
	s2 =	srdreg.scid  }
0x4: {  	s13 =	rddreg [dreg:$0x3];
	s0 =	stileid.u32;
	s14 =	sand.u32 $0x1, s2  }
0x5: {  	s15 =	rddreg [dreg:$0x4];
	s7 =	sshll.u32 s0, $0x6;
	s5 =	sshll.u32 s14, $0xA  }
0x6: {  	s3 =	simm.s32 $0x0;
	s2 =	rddreg [dreg:$0x5];
	s16 =	sor.u32 s7, s5  }
0x7: {  	[smem:$0x7FF] =	sst s3;
	s7 =	sshrl.u32 s16, $0x3  }
0x8: {  	_ =	strace $0x80000047;
	s5 =	sadd.s32 s4, s7;
	s4 =	simm.s32 $0x3  }
0x9: {  	[tilespmem:s3], [sflag:$0x3] =	stream.linear.gather [hbm4b:s5+s3], $0x40, $0x38;
	[tilespmem:$0x4100] =	vst v63  }
0xa: {  	_ =	swait.ge [sflag:s4], $0x40  }
0xb: {  	[sflag:s4] =	ssyncset.done $0x0  }
0xc: {  	s6 =	sadd.s32 s6, s7;
	s7 =	simm.s32 $0x80;
	[sflag:s4] =	ssyncadd.s32 $0xFFFFFFC0  }
0xd: {  	[tilespmem:s7], [sflag:$0x3] =	stream.linear.gather [hbm4b:s6+s3], $0x40, $0x38;
	[tilespmem:$0x4100] =	vst v63  }
0xe: {  	_ =	swait.ge [sflag:s4], $0x40  }
0xf: {  	[sflag:s4] =	ssyncset.done $0x0  }
0x10: {  	s8 =	simm.s32 $0x40;
	s9 =	simm.s32 $0x100;
	[sflag:s4] =	ssyncadd.s32 $0xFFFFFFC0  }
0x11: {  	[tilespmem:s9], [sflag:$0x1] =	stream.indirect.gather [hbm4b:s1+s8], $0x80, s3, s8, $0xb8;
	[tilespmem:$0x4100] =	vst v63  }
0x12: {  	s10 =	simm.s32 $0x2100;
	s11 =	simm.s32 $0x1  }
0x13: {  	[tilespmem:s10], [sflag:$0x2] =	stream.indirect.gather [hbm4b:s1+s8], $0x80, s7, s8, $0xb8;
	[tilespmem:$0x4100] =	vst v63  }
0x14: {  	_ =	swait.ge [sflag:s11], $0x2000  }
0x15: {  	[sflag:s11] =	ssyncset.done $0x0  }
0x16: {  	s12 =	simm.s32 $0x2;
	s14 =	ssub.s32 $0x2, s14;
	[sflag:s11] =	ssyncadd.s32 $0xFFFFE000  }
0x17: {  	s17 =	sshrl.u32 s14, $0x1;
	_ =	swait.ge [sflag:s12], $0x2000  }
0x18: {  	s16 =	sshll.u32 s16, $0x4;
	s17 =	ssub.s32 s14, s17;
	[sflag:s12] =	ssyncset.done $0x0  }
0x19: {  	s13 =	sadd.s32 s13, s16;
	s31 =	smax.u32 s17, $0x1;
	[sflag:s12] =	ssyncadd.s32 $0xFFFFE000  }
0x1a: {  	[hbm4b:s13+s3] =	stream.linear.scatter [tilespmem:s9], [sflag:$0x3], $0x2000, $0x38;
	[tilespmem:$0x4100] =	vst v63  }
0x1b: {  	p0 =	sne.s32 s31, $0x1;
	_ =	swait.ge [sflag:s4], $0x2000  }
.Ltmp0:
0x1c: {  	[sflag:s4] =	ssyncset.done $0x0;
	(pc) =	sbr.rel @!p0 .LBB2_2-.Ltmp0, $4  }
0x1d: {  	s14 =	sadd.s32 s15, s16;
	[sflag:s4] =	ssyncadd.s32 $0xFFFFE000  }
0x1e: {  	[hbm4b:s14+s3] =	stream.linear.scatter [tilespmem:s10], [sflag:$0x3], $0x2000, $0x38;
	[tilespmem:$0x4100] =	vst v63  }
0x1f: {  	_ =	swait.ge [sflag:s4], $0x2000  }
0x20: {  	s15 =	sadd.s32 $0xFFFFFFFF, s31;
	[sflag:s4] =	ssyncset.done $0x0  }
.LBB2_1:
0x21: {  	p0 =	sne.s32 s15, $0x1;
	s15 =	sadd.s32 $0xFFFFFFFF, s15;
	[sflag:s4] =	ssyncadd.s32 $0xFFFFE000  }
0x22: {  	[tilespmem:s3], [sflag:$0x3] =	stream.linear.gather [hbm4b:s5+s3], $0x40, $0x38;
	[tilespmem:$0x4100] =	vst v63  }
0x23: {  	_ =	swait.ge [sflag:s4], $0x40  }
0x24: {  	[sflag:s4] =	ssyncset.done $0x0  }
0x25: {  	[sflag:s4] =	ssyncadd.s32 $0xFFFFFFC0  }
0x26: {  	[tilespmem:s7], [sflag:$0x3] =	stream.linear.gather [hbm4b:s6+s3], $0x40, $0x38;
	[tilespmem:$0x4100] =	vst v63  }
0x27: {  	_ =	swait.ge [sflag:s4], $0x40  }
0x28: {  	[sflag:s4] =	ssyncset.done $0x0  }
0x29: {  	[sflag:s4] =	ssyncadd.s32 $0xFFFFFFC0  }
0x2a: {  	[tilespmem:s9], [sflag:$0x1] =	stream.indirect.gather [hbm4b:s1+s8], $0x80, s3, s8, $0xb8;
	[tilespmem:$0x4100] =	vst v63  }
0x2b: {  	_ = 	snop  }
0x2c: {  	[tilespmem:s10], [sflag:$0x2] =	stream.indirect.gather [hbm4b:s1+s8], $0x80, s7, s8, $0xb8;
	[tilespmem:$0x4100] =	vst v63  }
0x2d: {  	_ =	swait.ge [sflag:s11], $0x2000  }
0x2e: {  	[sflag:s11] =	ssyncset.done $0x0  }
0x2f: {  	[sflag:s11] =	ssyncadd.s32 $0xFFFFE000  }
0x30: {  	_ =	swait.ge [sflag:s12], $0x2000  }
0x31: {  	[sflag:s12] =	ssyncset.done $0x0  }
0x32: {  	[sflag:s12] =	ssyncadd.s32 $0xFFFFE000  }
0x33: {  	[hbm4b:s13+s3] =	stream.linear.scatter [tilespmem:s9], [sflag:$0x3], $0x2000, $0x38;
	[tilespmem:$0x4100] =	vst v63  }
0x34: {  	_ =	swait.ge [sflag:s4], $0x2000  }
.Ltmp1:
0x35: {  	[sflag:s4] =	ssyncset.done $0x0;
	(pc) =	sbr.rel @p0 .LBB2_1-.Ltmp1, $4  }
0x36: {  	[sflag:s4] =	ssyncadd.s32 $0xFFFFE000  }
0x37: {  	[hbm4b:s14+s3] =	stream.linear.scatter [tilespmem:s10], [sflag:$0x3], $0x2000, $0x38;
	[tilespmem:$0x4100] =	vst v63  }
0x38: {  	_ =	swait.ge [sflag:s4], $0x2000  }
0x39: {  	[sflag:s4] =	ssyncset.done $0x0  }
.LBB2_2:
0x3a: {  	[sflag:s4] =	ssyncadd.s32 $0xFFFFE000  }
0x3b: {  	_ =	sfence.sel $0x180000  }
0x3c: {  	[bflag:$0x0] =	sbarrier.arrive $0xFFFF  }
0x3d: {  	p0 =	sne.s32 s0, $0x0;
	_ =	strace $0x90000047  }
0x3e: {  	s0 =	sadd.s32 @!p0 $0x100000, s2;
	[bflag:$0x2] =	sbarrier.arrive $0xFFFF  }
0x3f: {  	[sflag:s0] =	ssyncadd.tile.s32 @!p0 $0x1;
	_ =	shalt  }
.Lfunc_end2:
_tile_overlayer_lowered:
.L_overlay_start_2:
0x40: {  	(tag) =	ssettag $0x2  }
0x41: {  	s0 =	rddreg [dreg:$0x0];
	s2 =	stileid.u32  }
0x42: {  	s1 =	rddreg [dreg:$0x1];
	p0 =	sne.s32 s2, $0x0  }
0x43: {  	s3 =	rddreg [dreg:$0x2];
	[bflag:$0x3] =	sbarrier.arrive $0xFFFF;
	s2 =	simm.s32 @!p0 $0x1C03  }
0x44: {  	[timem:s3], [sflag:s2] =	dma.local @!p0 [hbm:s0], s1  }
0x45: {  	s0 =	simm.s32 @!p0 $0x3  }
0x46: {  	_ =	swait.ge @!p0 [sflag:s0], s1  }
0x47: {  	s1 =	ssub.s32 @!p0 $0x0, s1;
	[sflag:s0] =	ssyncset.done @!p0 $0x0  }
0x48: {  	[sflag:s0] =	ssyncadd.s32 @!p0 s1  }
0x49: {  	[bflag:$0x3] =	sbarrier.arrive $0xFFFF  }
0x4a: {  	_ =	shalt  }

// kernel: kernel.9.cloned.1.call-start
scs
__scs_entry_jumppad:
0x0: {  	(pc) =	sbr.rel $0x88, $3  }
0x1: {  	(tag) =	ssettag $0x0;
	lr =	simm.s32 $0x1  }
0x2: {  	[smem:$0x3F92] =	sst lr;
	_ =	strace $0xD0000000  }
0x3: {  	_ = 	snop  }
0x4: {  	_ = 	snop  }
0x5: {  	_ = 	snop  }
0x6: {  	_ = 	snop  }
0x7: {  	_ = 	snop  }
__scs_overlays_trampoline_lowered:
0x8: {  	[smem:$0x3FA1] =	sst s0  }
0x9: {  	[smem:$0x3FA2] =	sst s1  }
0xa: {  	[smem:$0x3FA3] =	sst s2  }
0xb: {  	[smem:$0x3FA4] =	sst s3  }
0xc: {  	[smem:$0x3FA5] =	sst s4  }
0xd: {  	[smem:$0x3FA6] =	sst s5  }
0xe: {  	[smem:$0x3FA7] =	sst s6  }
0xf: {  	[smem:$0x3FA8] =	sst s7  }
0x10: {  	[smem:$0x3FA9] =	sst s8  }
0x11: {  	[smem:$0x3FAA] =	sst s9;
	s0 =	simm.s32 @!p0 $0x0  }
0x12: {  	s1 =	sld [smem:$0x3F90];
	s0 =	simm.s32 @p0 $0x1  }
0x13: {  	[smem:$0x3FAB] =	sst s0;
	s0 =	simm.s32 @!p1 $0x0  }
0x14: {  	s2 =	sld [smem:$0x3F8F];
	s0 =	simm.s32 @p1 $0x1  }
0x15: {  	[smem:$0x3FAC] =	sst s0;
	s0 =	simm.s32 @!p2 $0x0  }
0x16: {  	s3 =	sld [smem:$0x3FDB];
	s0 =	simm.s32 @p2 $0x1  }
0x17: {  	s4 =	simm.s32 $0x1BF5;
	[smem:$0x3FAE] =	sst s0  }
0x18: {  	s0 =	sld [smem:$0x3F91];
	_ =	swait.ge [sflag:s4], $0x0  }
0x19: {  	s7 =	sld [smem:$0x3F92]  }
0x1a: {  	s8 =	sadd.s32 $0xFFFFE003, lr  }
0x1b: {  	s9 =	sadd.s32 $0xFFFFFEF7, lr;
	s5 =	simm.s32 $0xFFFFFFFF;
	p2 =	slt.u32 s8, $0xFFFFF086  }
0x1c: {  	p1 =	slt.u32 s9, $0xF7A;
	s5 =	simm.s32 @!p2 $0x0  }
0x1d: {  	s5 =	simm.s32 @p1 $0x1;
	p0 =	seq.s32 s7, s2  }
0x1e: {  	s7 =	smul.u32 @!p0 $0xF7A, s2;
	p2 =	seq.s32 @!p0 s5, $0x0  }
0x1f: {  	s9 =	smul.u32 $0xF7A, s1;
	s8 =	simm.s32 @!p0 $0x1BF5;
	p2 =	por !p2, p0  }
0x20: {  	[sflag:s8] =	ssyncset.s32 @!p0 $0xFFFFF086;
	s6 =	sadd.s32 @!p0 s3, s7;
	s7 =	simm.s32 @!p0 $0x108  }
0x21: {  	s3 =	sadd.s32 s3, s9;
	s6 =	sadd.s32 @!p0 $0x88, s6;
	s7 =	simm.s32 @p2 $0x1082  }
0x22: {  	[simem:s7], [sflag:s8] =	dma.local @!p0 [hbm:s6], $0xF7A  }
0x23: {  	s9 =	sor.u32 $0xD0000000, s2;
	s6 =	simm.s32 $0x108;
	_ =	swait.ge @!p0 [sflag:s8], $0x0  }
0x24: {  	s3 =	sadd.s32 $0x88, s3;
	s6 =	simm.s32 @!p1 $0x1082;
	[sflag:s4] =	ssyncset.s32 $0xFFFFF086  }
0x25: {  	[simem:s6], [sflag:s4] =	dma.local [hbm:s3], $0xF7A  }
0x26: {  	[smem:$0x3F92] =	sst s1;
	(tag) =	ssettag s2;
	_ =	strace s9  }
0x27: {  	s1 =	sld [smem:$0x3FA2]  }
0x28: {  	s2 =	sld [smem:$0x3FA3]  }
0x29: {  	s4 =	sld [smem:$0x3FA5]  }
0x2a: {  	p0 =	seq.s32 s5, $0x0;
	s5 =	sld [smem:$0x3FA6]  }
0x2b: {  	s6 =	sld [smem:$0x3FA7]  }
0x2c: {  	s7 =	sld [smem:$0x3FA8]  }
0x2d: {  	s3 =	simm.s32 $0x108;
	s8 =	sld [smem:$0x3FA9]  }
0x2e: {  	s3 =	simm.s32 @!p0 $0x1082;
	s9 =	sld [smem:$0x3FAA]  }
0x2f: {  	lr =	sadd.s32 s0, s3;
	s0 =	sld [smem:$0x3FA1]  }
0x30: {  	s3 =	sld [smem:$0x3FA4]  }
0x31: {  	[smem:$0x3FAD] =	sst s10  }
0x32: {  	s10 =	sld [smem:$0x3FAB];
	_ =	sdelay $0x3  }
0x33: {  	p0 =	seq.s32 s10, $0x1;
	s10 =	sld [smem:$0x3FAD];
	_ =	sdelay $0x3  }
0x34: {  	[smem:$0x3FAD] =	sst s10  }
0x35: {  	s10 =	sld [smem:$0x3FAC];
	_ =	sdelay $0x3  }
0x36: {  	p1 =	seq.s32 s10, $0x1;
	s10 =	sld [smem:$0x3FAD];
	_ =	sdelay $0x3  }
0x37: {  	[smem:$0x3FAD] =	sst s10  }
0x38: {  	s10 =	sld [smem:$0x3FAE]  }
0x39: {  	_ = 	snop;
	(pc) =	sbr.ind lr, $3  }
0x3a: {  	_ = 	snop  }
0x3b: {  	_ = 	snop  }
0x3c: {  	p2 =	seq.s32 s10, $0x1;
	s10 =	sld [smem:$0x3FAD]  }
0x3d: {  	_ =	shalt  }
0x3e: {  	_ =	shalt  }
0x3f: {  	_ =	shalt  }
0x40: {  	_ =	shalt  }
0x41: {  	_ =	shalt  }
0x42: {  	_ =	shalt  }
0x43: {  	_ =	shalt  }
0x44: {  	_ =	shalt  }
0x45: {  	_ =	shalt  }
0x46: {  	_ =	shalt  }
0x47: {  	_ =	shalt  }
0x48: {  	_ =	shalt  }
0x49: {  	_ =	shalt  }
0x4a: {  	_ =	shalt  }
0x4b: {  	_ =	shalt  }
0x4c: {  	_ =	shalt  }
0x4d: {  	_ =	shalt  }
0x4e: {  	_ =	shalt  }
0x4f: {  	_ =	shalt  }
0x50: {  	_ =	shalt  }
0x51: {  	_ =	shalt  }
0x52: {  	_ =	shalt  }
0x53: {  	_ =	shalt  }
0x54: {  	_ =	shalt  }
0x55: {  	_ =	shalt  }
0x56: {  	_ =	shalt  }
0x57: {  	_ =	shalt  }
0x58: {  	_ =	shalt  }
0x59: {  	_ =	shalt  }
0x5a: {  	_ =	shalt  }
0x5b: {  	_ =	shalt  }
0x5c: {  	_ =	shalt  }
0x5d: {  	_ =	shalt  }
0x5e: {  	_ =	shalt  }
0x5f: {  	_ =	shalt  }
0x60: {  	_ =	shalt  }
0x61: {  	_ =	shalt  }
0x62: {  	_ =	shalt  }
0x63: {  	_ =	shalt  }
0x64: {  	_ =	shalt  }
0x65: {  	_ =	shalt  }
0x66: {  	_ =	shalt  }
0x67: {  	_ =	shalt  }
0x68: {  	_ =	shalt  }
0x69: {  	_ =	shalt  }
0x6a: {  	_ =	shalt  }
0x6b: {  	_ =	shalt  }
0x6c: {  	_ =	shalt  }
0x6d: {  	_ =	shalt  }
0x6e: {  	_ =	shalt  }
0x6f: {  	_ =	shalt  }
0x70: {  	_ =	shalt  }
0x71: {  	_ =	shalt  }
0x72: {  	_ =	shalt  }
0x73: {  	_ =	shalt  }
0x74: {  	_ =	shalt  }
0x75: {  	_ =	shalt  }
0x76: {  	_ =	shalt  }
0x77: {  	_ =	shalt  }
0x78: {  	_ =	shalt  }
0x79: {  	_ =	shalt  }
0x7a: {  	_ =	shalt  }
0x7b: {  	_ =	shalt  }
0x7c: {  	_ =	shalt  }
0x7d: {  	_ =	shalt  }
0x7e: {  	_ =	shalt  }
0x7f: {  	_ =	shalt  }
0x80: {  	_ =	shalt  }
0x81: {  	_ =	shalt  }
0x82: {  	_ =	shalt  }
0x83: {  	_ =	shalt  }
0x84: {  	_ =	shalt  }
0x85: {  	_ =	shalt  }
0x86: {  	_ =	shalt  }
0x87: {  	_ =	shalt  }
.Lfunc_end0:
.L_simem_size_0:
called_computation.1_lowered:
.L_overlay_start_0:
0x88: {  	s2 =	sld [smem:$0x3FD9]  }
0x89: {  	s3 =	sld [smem:$0x3FFE];
	_ =	sdelay $0x1  }
0x8a: {  	s1 =	srdreg.scid  }
0x8b: {  	s0 =	sand.u32 $0x1, s1  }
0x8c: {  	s14 =	sshll.u32 s0, $0xA;
	s2 =	sadd.s32 s3, s2  }
0x8d: {  	s2 =	sadd.s32 s2, s14  }
0x8e: {  	[smem:$0x3FB9] =	sst s2  }
0x8f: {  	_ = 	snop  }
0x90: {  	s2 =	sld [smem:$0x3FD0];
	_ =	sdelay $0x1  }
0x91: {  	s15 =	sld [smem:$0x3FC7]  }
0x92: {  	s5 =	simm.s32 $0xA;
	s6 =	simm.s32 $0x10;
	s4 =	sld [smem:$0x3FC6]  }
0x93: {  	[smem:s6], [sflag:s5] =	dma.local [hbm:s2], $0x1  }
0x94: {  	_ =	swait.eq [sflag:s5], $0x1  }
0x95: {  	[sflag:s5] =	ssyncset.done $0x0  }
0x96: {  	[sflag:s5] =	ssyncadd.s32 $0xFFFFFFFF  }
0x97: {  	s16 =	sld [smem:$0x10];
	(tm) =	ssettm $0x1  }
0x98: {  	s17 =	sld [smem:$0x3FFB];
	_ =	sdelay $0x3  }
0x99: {  	_ =	strace s17  }
0x9a: {  	s5 =	sld [smem:$0x3FFC];
	_ =	sdelay $0x3  }
0x9b: {  	_ =	strace s5  }
0x9c: {  	s5 =	sld [smem:$0x3FFD];
	_ =	sdelay $0x3  }
0x9d: {  	_ =	strace s5  }
0x9e: {  	_ =	strace $0x8FFFFFFF  }
0x9f: {  	s18 =	sld [smem:$0x3FDB];
	_ =	sdelay $0x1  }
0xa0: {  	s19 =	simm.s32 $_scs_section_size  }
0xa1: {  	s7 =	simm.s32 $_size__tile_overlayer_lowered;
	s8 =	simm.s32 $_tile_overlayer_lowered  }
0xa2: {  	s22 =	simm.s32 $0x1BFF;
	s21 =	sshll.u32 s8, $0x1;
	s5 =	sadd.s32 s19, s18  }
0xa3: {  	s9 =	simm.s32 $0x0;
	s20 =	sshll.u32 s7, $0x1;
	s7 =	sadd.s32 s21, s5  }
0xa4: {  	[timem:s9], [sflag:s22] =	dma.local [hbm:s7], s20  }
0xa5: {  	_ =	swait.ge [sflag:s22], s20  }
0xa6: {  	s6 =	ssub.s32 $0x0, s20;
	[sflag:s22] =	ssyncset.done $0x0  }
0xa7: {  	[sflag:s22] =	ssyncadd.s32 s6;
	_ =	sdelay $0x1  }
0xa8: {  	s23 =	simm.s32 $0x1B8B  }
0xa9: {  	_ =	swait.ge [sflag:s23], $0x1  }
0xaa: {  	[sflag:s23] =	ssyncset.done $0x0  }
0xab: {  	s25 =	simm.s32 $0x1B8E;
	s24 =	sld [smem:$0x3FFE];
	[sflag:s23] =	ssyncadd.s32 $0xFFFFFFFF  }
0xac: {  	s26 =	simm.s32 $execute0_lowered;
	[smem:$0x3FD2] =	sst s25  }
0xad: {  	s7 =	sshll.u32 s26, $0x1;
	_ =	strace $0x80000049;
	[dreg:$0x1] =	wrdreg $0xFFFFFFFF  }
0xae: {  	s28 =	simm.s32 $_size_execute0_lowered;
	s5 =	sadd.s32 s5, s7;
	[dreg:$0x0] =	wrdreg $0x0  }
0xaf: {  	s7 =	sshll.u32 s28, $0x1;
	[dreg:$0x2] =	wrdreg s5  }
0xb0: {  	[dreg:$0x3] =	wrdreg s7  }
0xb1: {  	[dreg:$0x4] =	wrdreg $0xC0  }
0xb2: {  	_ =	task [dreg:s9], $0x5FFFF  }
0xb3: {  	[dreg:$0x1] =	wrdreg $0xFFFFFFFF  }
0xb4: {  	[dreg:$0x0] =	wrdreg $0x60  }
0xb5: {  	[dreg:$0x2] =	wrdreg s16  }
0xb6: {  	[dreg:$0x3] =	wrdreg s24  }
0xb7: {  	[dreg:$0x4] =	wrdreg s4  }
0xb8: {  	[dreg:$0x5] =	wrdreg s15  }
0xb9: {  	[dreg:$0x6] =	wrdreg $0x81000  }
0xba: {  	[dreg:$0x7] =	wrdreg $0x9  }
0xbb: {  	_ =	task.clear_ibuf [dreg:s9], $0x8FFFF;
	_ =	strace $0x90000049  }
0xbc: {  	s29 =	simm.s32 $0x9;
	_ =	strace $0x8000004B  }
0xbd: {  	_ =	swait.ge [sflag:s29], $0x1  }
0xbe: {  	[sflag:s29] =	ssyncadd.s32 $0xFFFFFFFF  }
0xbf: {  	_ =	strace $0x9000004B  }
0xc0: {  	_ =	sfence  }
0xc1: {  	s30 =	sld [smem:$0x0];
	_ =	sdelay $0x2  }
0xc2: {  	s31 =	sshll.u32 s1, $0xD;
	s1 =	sshrl.u32 s1, $0x2  }
0xc3: {  	s3 =	sand.u32 $0x4000, s31;
	s1 =	sadd.s32 s1, s30  }
0xc4: {  	s0 =	sor.u32 s3, s0;
	s1 =	sshll.u32 s1, $0x11  }
0xc5: {  	s0 =	sor.u32 s1, s0  }
0xc6: {  	s0 =	sadd.s32 $0x8F2B, s0  }
0xc7: {  	[sflag:s0] =	ssyncadd.remote.s32 $0x1  }
0xc8: {  	_ =	sfence.sel $0xFFFF  }
0xc9: {  	[dreg:$0x0] =	wrdreg $0xFFFFFFFF;
	(pc) =	sbr.abs _section_cstart, $3  }
0xca: {  	[dreg:$0x1] =	wrdreg $0xFFFFFFFF  }
0xcb: {  	_ =	task.clear_ibuf [dreg:s9], $0x2FFFF;
	_ =	strace $0x9FFFFFFF  }
0xcc: {  	(tm) =	ssettm $0x7FFFFFFF  }
0xcd: {  	_ =	shalt  }
tec
execute0_lowered:
.L_overlay_start_1:
0x0: {  	(tag) =	ssettag $0x1  }
0x1: {  	s3 =	rddreg [dreg:$0x0]  }
0x2: {  	s15 =	rddreg [dreg:$0x1]  }
0x3: {  	s8 =	rddreg [dreg:$0x2]  }
0x4: {  	s10 =	rddreg [dreg:$0x3];
	s1 =	stileid.u32  }
0x5: {  	s2 =	rddreg [dreg:$0x4];
	s4 =	smul.u32 $0x29000, s1  }
0x6: {  	s0 =	rddreg [dreg:$0x5];
	s5 =	simm.s32 $0x0;
	s6 =	smul.u32 $0x1480, s1  }
0x7: {  	[smem:$0x7FF] =	sst s5;
	s28 =	sshll.u32 s1, $0x6;
	s4 =	sshrl.u32 s4, $0x2  }
0x8: {  	_ =	strace $0x8000004A;
	s6 =	sadd.s32 s3, s6;
	s7 =	sadd.s32 s4, s2  }
0x9: {  	s3 =	simm.s32 $0x1;
	s4 =	sor.u32 $0x1C01, s28;
	s7 =	sshrl.u32 s7, $0x3  }
0xa: {  	[spmem:s7], [sflag:s4] =	dma.local [hbm:s6], $0x1480  }
0xb: {  	_ =	swait.ge [sflag:s3], $0x1480  }
0xc: {  	s11 =	sshll.u32 s1, $0x4;
	[sflag:s3] =	ssyncset.done $0x0  }
0xd: {  	s9 =	sadd.s32 s8, s11;
	[sflag:s3] =	ssyncadd.s32 $0xFFFFEB80  }
0xe: {  	[tilespmem:s5], [sflag:$0x1] =	stream.linear.gather [hbm4b:s9+s5], $0x80, $0x38;
	[tilespmem:$0x12500] =	vst v63  }
0xf: {  	_ =	swait.ge [sflag:s3], $0x80  }
0x10: {  	[sflag:s3] =	ssyncset.done $0x0  }
0x11: {  	s10 =	sadd.s32 s10, s11;
	s8 =	simm.s32 $0x80;
	[sflag:s3] =	ssyncadd.s32 $0xFFFFFF80  }
0x12: {  	[tilespmem:s8], [sflag:$0x1] =	stream.linear.gather [hbm4b:s10+s5], $0x80, $0x38;
	[tilespmem:$0x12500] =	vst v63  }
0x13: {  	s29 =	sshll.u32 s1, $0xB;
	_ =	swait.ge [sflag:s3], $0x80  }
0x14: {  	s12 =	sadd.s32 s29, s15;
	[sflag:s3] =	ssyncset.done $0x0  }
0x15: {  	s11 =	simm.s32 $0x100;
	s13 =	sadd.s32 $0x3600, s12;
	[sflag:s3] =	ssyncadd.s32 $0xFFFFFF80  }
0x16: {  	[tilespmem:s11], [sflag:$0x1] =	stream.linear.gather [hbm4b:s13+s5], $0x4000, $0x38;
	[tilespmem:$0x12500] =	vst v63  }
0x17: {  	_ =	swait.ge [sflag:s3], $0x4000  }
0x18: {  	[sflag:s3] =	ssyncset.done $0x0  }
0x19: {  	s14 =	sadd.s32 $0xB600, s12;
	s12 =	simm.s32 $0x4100;
	[sflag:s3] =	ssyncadd.s32 $0xFFFFC000  }
0x1a: {  	[tilespmem:s12], [sflag:$0x1] =	stream.linear.gather [hbm4b:s14+s5], $0x4000, $0x38;
	[tilespmem:$0x12500] =	vst v63  }
0x1b: {  	_ =	swait.ge [sflag:s3], $0x4000  }
0x1c: {  	[sflag:s3] =	ssyncset.done $0x0  }
0x1d: {  	[sflag:s3] =	ssyncadd.s32 $0xFFFFC000  }
0x1e: {  	s16 =	srdreg.scid;
	v1 =	vld [tilespmem:$0xF0]  }
0x1f: {  	s16 =	sand.u32 $0x1, s16;
	v2 =	vld [tilespmem:$0xD0]  }
0x20: {  	s17 =	smul.u32 $0x1400, s16;
	v5 =	vld [tilespmem:$0x50]  }
0x21: {  	v3 =	vld [tilespmem:$0xE0]  }
0x22: {  	v0 =	vmov s17;
	v4 =	vld [tilespmem:$0x70]  }
0x23: {  	v6 =	vld [tilespmem:$0xC0];
	v1 =	vsub.s32 v1, v0  }
0x24: {  	v7 =	vld [tilespmem:$0x40];
	v2 =	vsub.s32 v2, v0;
	v1 =	vmin.u32 v1, $0x1400  }
0x25: {  	v8 =	vld [tilespmem:$0xB0];
	v5 =	vsub.s32 v5, v0;
	v2 =	vmin.u32 v2, $0x1400;
	[tilespmem:$0xF0] =	vst v1  }
0x26: {  	v59 =	vld [tilespmem:$0xA0];
	v3 =	vsub.s32 v3, v0;
	v5 =	vmin.u32 v5, $0x1400;
	[tilespmem:$0xD0] =	vst v2  }
0x27: {  	v1 =	vld [tilespmem:$0x30];
	v2 =	vmin.u32 v3, $0x1400;
	v3 =	vsub.s32 v4, v0;
	[tilespmem:$0x50] =	vst v5  }
0x28: {  	v6 =	vsub.s32 v6, v0;
	[tilespmem:$0xE0] =	vst v2;
	v2 =	vmin.u32 v3, $0x1400;
	v3 =	vld [tilespmem:$0x20]  }
0x29: {  	s16 =	ssub.s32 $0x2, s16;
	v7 =	vsub.s32 v7, v0;
	v6 =	vmin.u32 v6, $0x1400;
	[tilespmem:$0x70] =	vst v2;
	v2 =	vld [tilespmem:$0x90]  }
0x2a: {  	s19 =	sshrl.u32 s16, $0x1;
	v60 =	vld [tilespmem:$0x10];
	v8 =	vsub.s32 v8, v0;
	v7 =	vmin.u32 v7, $0x1400;
	[tilespmem:$0xC0] =	vst v6  }
0x2b: {  	s16 =	ssub.s32 s16, s19;
	v61 =	vld [tilespmem:$0x80];
	v8 =	vmin.u32 v8, $0x1400;
	[tilespmem:$0x40] =	vst v7;
	v4 =	vsub.s32 v59, v0  }
0x2c: {  	s18 =	smul.u32 $0x140, s1;
	s19 =	smax.u32 s16, $0x1;
	v62 =	vld [tilespmem:$0x60];
	[tilespmem:$0xB0] =	vst v8;
	v4 =	vmin.u32 v4, $0x1400;
	v1 =	vsub.s32 v1, v0  }
0x2d: {  	s20 =	smul.u32 $0x28000, s1;
	p0 =	sne.s32 s19, $0x1;
	v63 =	vld [tilespmem:$0x0];
	[tilespmem:$0xA0] =	vst v4;
	v1 =	vmin.u32 v1, $0x1400;
	v3 =	vsub.s32 v3, v0  }
.Ltmp0:
0x2e: {  	[tilespmem:$0x30] =	vst v1;
	v1 =	vsub.s32 v2, v0;
	v2 =	vmin.u32 v3, $0x1400;
	(pc) =	sbr.rel @!p0 .LBB2_2-.Ltmp0, $4  }
0x2f: {  	s17 =	sadd.s32 s18, s17;
	v3 =	vsub.s32 v60, v0;
	v1 =	vmin.u32 v1, $0x1400;
	[tilespmem:$0x20] =	vst v2  }
0x30: {  	s30 =	sshrl.u32 s20, $0x2;
	s17 =	sshll.u32 s17, $0x4;
	v2 =	vsub.s32 v61, v0;
	v3 =	vmin.u32 v3, $0x1400;
	[tilespmem:$0x90] =	vst v1  }
0x31: {  	s31 =	sadd.s32 s30, s2;
	s15 =	sadd.s32 s17, s15;
	v2 =	vmin.u32 v2, $0x1400;
	[tilespmem:$0x10] =	vst v3;
	v3 =	vsub.s32 v62, v0  }
0x32: {  	s16 =	sshrl.u32 s31, $0x3;
	s17 =	sadd.s32 $0xFFFFFFFF, s19;
	s15 =	sadd.s32 $0x13600, s15;
	v1 =	vsub.s32 v63, v0;
	[tilespmem:$0x80] =	vst v2;
	v2 =	vmin.u32 v3, $0x1400  }
.LBB2_1:
0x33: {  	p0 =	sne.s32 s17, $0x1;
	s17 =	sadd.s32 $0xFFFFFFFF, s17;
	v1 =	vmin.u32 v1, $0x1400;
	[tilespmem:$0x60] =	vst v2  }
0x34: {  	[tilespmem:$0x0] =	vst v1  }
0x35: {  	[bflag:$0x0] =	sbarrier.arrive $0xFFFF  }
0x36: {  	[spmem:s2] =	stream.indirect.scatter.add.f32 [tilespmem:s11], [sflag:$0x1], $0x80, s5, s8, $0xb8;
	[tilespmem:$0x12500] =	vst v63  }
0x37: {  	_ =	swait.ge [sflag:s3], $0x4000  }
0x38: {  	[sflag:s3] =	ssyncset.done $0x0  }
0x39: {  	[sflag:s3] =	ssyncadd.s32 $0xFFFFC000  }
0x3a: {  	[spmem:s2] =	stream.indirect.scatter.add.f32 [tilespmem:s12], [sflag:$0x1], $0x80, s8, s8, $0xb8;
	[tilespmem:$0x12500] =	vst v63  }
0x3b: {  	_ =	swait.ge [sflag:s3], $0x4000  }
0x3c: {  	[sflag:s3] =	ssyncset.done $0x0  }
0x3d: {  	[sflag:s3] =	ssyncadd.s32 $0xFFFFC000  }
0x3e: {  	[bflag:$0x0] =	sbarrier.arrive $0xFFFF  }
0x3f: {  	[hbm:s15], [sflag:s4] =	dma.local [spmem:s16], $0x1400  }
0x40: {  	_ =	swait.ge [sflag:s3], $0x1400  }
0x41: {  	[sflag:s3] =	ssyncset.done $0x0  }
0x42: {  	[sflag:s3] =	ssyncadd.s32 $0xFFFFEC00  }
0x43: {  	[spmem:s7], [sflag:s4] =	dma.local [hbm:s6], $0x1480  }
0x44: {  	_ =	swait.ge [sflag:s3], $0x1480  }
0x45: {  	[sflag:s3] =	ssyncset.done $0x0  }
0x46: {  	[sflag:s3] =	ssyncadd.s32 $0xFFFFEB80  }
0x47: {  	[tilespmem:s5], [sflag:$0x1] =	stream.linear.gather [hbm4b:s9+s5], $0x80, $0x38;
	[tilespmem:$0x12500] =	vst v63  }
0x48: {  	_ =	swait.ge [sflag:s3], $0x80  }
0x49: {  	[sflag:s3] =	ssyncset.done $0x0  }
0x4a: {  	[sflag:s3] =	ssyncadd.s32 $0xFFFFFF80  }
0x4b: {  	[tilespmem:s8], [sflag:$0x1] =	stream.linear.gather [hbm4b:s10+s5], $0x80, $0x38;
	[tilespmem:$0x12500] =	vst v63  }
0x4c: {  	_ =	swait.ge [sflag:s3], $0x80  }
0x4d: {  	[sflag:s3] =	ssyncset.done $0x0  }
0x4e: {  	[sflag:s3] =	ssyncadd.s32 $0xFFFFFF80  }
0x4f: {  	[tilespmem:s11], [sflag:$0x1] =	stream.linear.gather [hbm4b:s13+s5], $0x4000, $0x38;
	[tilespmem:$0x12500] =	vst v63  }
0x50: {  	_ =	swait.ge [sflag:s3], $0x4000  }
0x51: {  	[sflag:s3] =	ssyncset.done $0x0  }
0x52: {  	[sflag:s3] =	ssyncadd.s32 $0xFFFFC000  }
0x53: {  	[tilespmem:s12], [sflag:$0x1] =	stream.linear.gather [hbm4b:s14+s5], $0x4000, $0x38;
	[tilespmem:$0x12500] =	vst v63  }
0x54: {  	_ =	swait.ge [sflag:s3], $0x4000  }
0x55: {  	[sflag:s3] =	ssyncset.done $0x0  }
0x56: {  	[sflag:s3] =	ssyncadd.s32 $0xFFFFC000  }
0x57: {  	v1 =	vld [tilespmem:$0xF0]  }
0x58: {  	v2 =	vld [tilespmem:$0xD0]  }
0x59: {  	v3 =	vld [tilespmem:$0xE0]  }
0x5a: {  	v4 =	vld [tilespmem:$0x70]  }
0x5b: {  	v5 =	vld [tilespmem:$0x50]  }
0x5c: {  	v6 =	vld [tilespmem:$0xC0];
	v1 =	vsub.s32 v1, v0  }
0x5d: {  	v7 =	vld [tilespmem:$0x40];
	v2 =	vsub.s32 v2, v0;
	v1 =	vmin.u32 v1, $0x1400  }
0x5e: {  	v8 =	vld [tilespmem:$0xB0];
	v2 =	vmin.u32 v2, $0x1400;
	v3 =	vsub.s32 v3, v0;
	[tilespmem:$0xF0] =	vst v1  }
0x5f: {  	v1 =	vld [tilespmem:$0x30];
	[tilespmem:$0xD0] =	vst v2;
	v2 =	vmin.u32 v3, $0x1400;
	v3 =	vsub.s32 v4, v0  }
0x60: {  	v4 =	vld [tilespmem:$0xA0];
	v5 =	vsub.s32 v5, v0;
	[tilespmem:$0xE0] =	vst v2;
	v2 =	vmin.u32 v3, $0x1400  }
0x61: {  	v3 =	vld [tilespmem:$0x20];
	v6 =	vsub.s32 v6, v0;
	v5 =	vmin.u32 v5, $0x1400;
	[tilespmem:$0x70] =	vst v2  }
0x62: {  	v2 =	vld [tilespmem:$0x90];
	v7 =	vsub.s32 v7, v0;
	v6 =	vmin.u32 v6, $0x1400;
	[tilespmem:$0x50] =	vst v5  }
0x63: {  	v5 =	vld [tilespmem:$0x10];
	v8 =	vsub.s32 v8, v0;
	v7 =	vmin.u32 v7, $0x1400;
	[tilespmem:$0xC0] =	vst v6  }
0x64: {  	v6 =	vld [tilespmem:$0x80];
	v1 =	vsub.s32 v1, v0;
	v8 =	vmin.u32 v8, $0x1400;
	[tilespmem:$0x40] =	vst v7  }
0x65: {  	v4 =	vsub.s32 v4, v0;
	v1 =	vmin.u32 v1, $0x1400;
	[tilespmem:$0xB0] =	vst v8;
	v7 =	vld [tilespmem:$0x60]  }
0x66: {  	v8 =	vld [tilespmem:$0x0];
	v3 =	vsub.s32 v3, v0;
	v4 =	vmin.u32 v4, $0x1400;
	[tilespmem:$0x30] =	vst v1  }
.Ltmp1:
0x67: {  	v1 =	vsub.s32 v2, v0;
	v2 =	vmin.u32 v3, $0x1400;
	[tilespmem:$0xA0] =	vst v4;
	(pc) =	sbr.rel @p0 .LBB2_1-.Ltmp1, $4  }
0x68: {  	v3 =	vsub.s32 v5, v0;
	v1 =	vmin.u32 v1, $0x1400;
	[tilespmem:$0x20] =	vst v2  }
0x69: {  	v2 =	vsub.s32 v6, v0;
	v3 =	vmin.u32 v3, $0x1400;
	[tilespmem:$0x90] =	vst v1  }
0x6a: {  	v2 =	vmin.u32 v2, $0x1400;
	[tilespmem:$0x10] =	vst v3;
	v3 =	vsub.s32 v7, v0  }
0x6b: {  	v1 =	vsub.s32 v8, v0;
	[tilespmem:$0x80] =	vst v2;
	v2 =	vmin.u32 v3, $0x1400  }
.LBB2_2:
0x6c: {  	v0 =	vmin.u32 v1, $0x1400;
	[tilespmem:$0x60] =	vst v2  }
0x6d: {  	[tilespmem:$0x0] =	vst v0  }
0x6e: {  	[bflag:$0x0] =	sbarrier.arrive $0xFFFF  }
0x6f: {  	[spmem:s2] =	stream.indirect.scatter.add.f32 [tilespmem:s11], [sflag:$0x1], $0x80, s5, s8, $0xb8;
	[tilespmem:$0x12500] =	vst v63  }
0x70: {  	_ =	swait.ge [sflag:s3], $0x4000  }
0x71: {  	[sflag:s3] =	ssyncset.done $0x0  }
0x72: {  	[sflag:s3] =	ssyncadd.s32 $0xFFFFC000  }
0x73: {  	[spmem:s2] =	stream.indirect.scatter.add.f32 [tilespmem:s12], [sflag:$0x1], $0x80, s8, s8, $0xb8;
	[tilespmem:$0x12500] =	vst v63  }
0x74: {  	_ =	swait.ge [sflag:s3], $0x4000  }
0x75: {  	[sflag:s3] =	ssyncset.done $0x0  }
0x76: {  	[sflag:s3] =	ssyncadd.s32 $0xFFFFC000  }
0x77: {  	[bflag:$0x0] =	sbarrier.arrive $0xFFFF  }
0x78: {  	[hbm:s15], [sflag:s4] =	dma.local [spmem:s16], $0x1400  }
0x79: {  	_ =	swait.ge [sflag:s3], $0x1400  }
0x7a: {  	[sflag:s3] =	ssyncset.done $0x0  }
0x7b: {  	[sflag:s3] =	ssyncadd.s32 $0xFFFFEC00  }
0x7c: {  	_ =	sfence.sel $0x180000  }
0x7d: {  	[bflag:$0x0] =	sbarrier.arrive $0xFFFF  }
0x7e: {  	p0 =	sne.s32 s1, $0x0;
	_ =	strace $0x9000004A  }
0x7f: {  	s0 =	sadd.s32 @!p0 $0x100000, s0;
	[bflag:$0x2] =	sbarrier.arrive $0xFFFF  }
0x80: {  	[sflag:s0] =	ssyncadd.tile.s32 @!p0 $0x1;
	_ =	shalt  }
.Lfunc_end2:
_tile_overlayer_lowered:
.L_overlay_start_2:
0x81: {  	(tag) =	ssettag $0x2  }
0x82: {  	s0 =	rddreg [dreg:$0x0];
	s2 =	stileid.u32  }
0x83: {  	s1 =	rddreg [dreg:$0x1];
	p0 =	sne.s32 s2, $0x0  }
0x84: {  	s3 =	rddreg [dreg:$0x2];
	[bflag:$0x3] =	sbarrier.arrive $0xFFFF;
	s2 =	simm.s32 @!p0 $0x1C01  }
0x85: {  	[timem:s3], [sflag:s2] =	dma.local @!p0 [hbm:s0], s1  }
0x86: {  	s0 =	simm.s32 @!p0 $0x1  }
0x87: {  	_ =	swait.ge @!p0 [sflag:s0], s1  }
0x88: {  	s1 =	ssub.s32 @!p0 $0x0, s1;
	[sflag:s0] =	ssyncset.done @!p0 $0x0  }
0x89: {  	[sflag:s0] =	ssyncadd.s32 @!p0 s1  }
0x8a: {  	[bflag:$0x3] =	sbarrier.arrive $0xFFFF  }
0x8b: {  	_ =	shalt  }

</sc_bundles>
